<compile_context>
chip_gen: v7x
topology: tpu7x:2x2x1
jax: 0.10.2.dev20260603
libtpu: 0.0.44.dev20260713+nightly
codegen_flags: <defaults>
</compile_context>

<pallas_src>
import jax
import jax.numpy as jnp
from jax import lax
from jax.experimental import pallas as pl
from jax.experimental.pallas import tpu as pltpu
from jax.experimental.pallas import tpu_sc as plsc

_N = 100000
_E = 6400000
_ALPHA = 2.0
_NC = 2
_NS = 16
_NW = _NC * _NS
_EPW = _E // _NW
_CHUNK = 4000
_NCHUNKS = _EPW // _CHUNK
_VSTEPS = _CHUNK // 16
_NPAD = 102400
_SL = _NPAD // _NS


def _sc_body(px, py, pz, sender, receiver, shx, shy, shz, zeros, part,
             sidx0, ridx0, hx0, hy0, hz0, sxv0, syv0, szv0, rxv0, ryv0, rzv0, eb0,
             sidx1, ridx1, hx1, hy1, hz1, sxv1, syv1, szv1, rxv1, ryv1, rzv1, eb1,
             spx, spy, spz, acc, semL0, semL1, semG0, semG1):
    c = lax.axis_index("c")
    s = lax.axis_index("s")
    wid = s * _NC + c

    sidx = (sidx0, sidx1)
    ridx = (ridx0, ridx1)
    hx = (hx0, hx1)
    hy = (hy0, hy1)
    hz = (hz0, hz1)
    sxv = (sxv0, sxv1)
    syv = (syv0, syv1)
    szv = (szv0, szv1)
    rxv = (rxv0, rxv1)
    ryv = (ryv0, ryv1)
    rzv = (rzv0, rzv1)
    ebuf = (eb0, eb1)
    semL = (semL0, semL1)
    semG = (semG0, semG1)

    sl = pl.ds(s * _SL, _SL)
    pltpu.sync_copy(px.at[sl], spx.at[sl])
    pltpu.sync_copy(py.at[sl], spy.at[sl])
    pltpu.sync_copy(pz.at[sl], spz.at[sl])
    pltpu.sync_copy(zeros.at[sl], acc.at[sl])
    plsc.subcore_barrier()

    base0 = wid * _EPW

    def lin_start(b, g):
        ch = pl.ds(pl.multiple_of(base0 + g * _CHUNK, _CHUNK), _CHUNK)
        pltpu.async_copy(sender.at[ch], sidx[b], semL[b])
        pltpu.async_copy(receiver.at[ch], ridx[b], semL[b])
        pltpu.async_copy(shx.at[ch], hx[b], semL[b])
        pltpu.async_copy(shy.at[ch], hy[b], semL[b])
        pltpu.async_copy(shz.at[ch], hz[b], semL[b])

    def lin_wait(b):
        ch = pl.ds(0, _CHUNK)
        pltpu.make_async_copy(sender.at[ch], sidx[b], semL[b]).wait()
        pltpu.make_async_copy(receiver.at[ch], ridx[b], semL[b]).wait()
        pltpu.make_async_copy(shx.at[ch], hx[b], semL[b]).wait()
        pltpu.make_async_copy(shy.at[ch], hy[b], semL[b]).wait()
        pltpu.make_async_copy(shz.at[ch], hz[b], semL[b]).wait()

    def gat_start(b):
        pltpu.async_copy(spx.at[sidx[b]], sxv[b], semG[b])
        pltpu.async_copy(spy.at[sidx[b]], syv[b], semG[b])
        pltpu.async_copy(spz.at[sidx[b]], szv[b], semG[b])
        pltpu.async_copy(spx.at[ridx[b]], rxv[b], semG[b])
        pltpu.async_copy(spy.at[ridx[b]], ryv[b], semG[b])
        pltpu.async_copy(spz.at[ridx[b]], rzv[b], semG[b])

    def gat_wait(b):
        pltpu.make_async_copy(spx.at[sidx[b]], sxv[b], semG[b]).wait()
        pltpu.make_async_copy(spy.at[sidx[b]], syv[b], semG[b]).wait()
        pltpu.make_async_copy(spz.at[sidx[b]], szv[b], semG[b]).wait()
        pltpu.make_async_copy(spx.at[ridx[b]], rxv[b], semG[b]).wait()
        pltpu.make_async_copy(spy.at[ridx[b]], ryv[b], semG[b]).wait()
        pltpu.make_async_copy(spz.at[ridx[b]], rzv[b], semG[b]).wait()

    def compute_scatter(b):
        def vec_body(i, carry2):
            v = pl.ds(i * 16, 16)
            dx = rxv[b][v] - sxv[b][v] + hx[b][v]
            dy = ryv[b][v] - syv[b][v] + hy[b][v]
            dz = rzv[b][v] - szv[b][v] + hz[b][v]
            ssq = dx * dx + dy * dy + dz * dz
            ib = lax.bitcast_convert_type(ssq, jnp.int32)
            y = lax.bitcast_convert_type(
                jnp.int32(0x5F3759DF) - lax.shift_right_logical(ib, 1), jnp.float32)
            h = 0.5 * ssq
            y = y * (1.5 - h * y * y)
            y = y * (1.5 - h * y * y)
            y = y * (1.5 - h * y * y)
            ebuf[b][v] = jnp.exp((-_ALPHA) * (ssq * y))
            return carry2

        lax.fori_loop(0, _VSTEPS, vec_body, 0, unroll=False)
        pltpu.sync_copy(ebuf[b], acc.at[ridx[b]], add=True)

    lin_start(0, 0)
    lin_wait(0)
    gat_start(0)
    lin_start(1, 1)

    def pair_body(g2, carry):
        g = g2 * 2
        for b in (0, 1):
            lin_wait(1 - b)
            gat_wait(b)
            gat_start(1 - b)
            compute_scatter(b)
            lin_start(b, g + 2)
            g = g + 1
        return carry

    lax.fori_loop(0, _NCHUNKS // 2 - 1, pair_body, 0, unroll=False)

    lin_wait(1)
    gat_wait(0)
    gat_start(1)
    compute_scatter(0)
    gat_wait(1)
    compute_scatter(1)

    plsc.subcore_barrier()
    off = pl.multiple_of(c * _NPAD + s * _SL, 8)
    pltpu.sync_copy(acc.at[sl], part.at[pl.ds(off, _SL)])


def _combine_body(p_ref, o_ref):
    o_ref[...] = 0.5 * (p_ref[0] + p_ref[1])


def kernel(positions, edge_index, shifts):
    posp = jnp.pad(positions, ((0, _NPAD - _N), (0, 0))).T
    sht = shifts.T
    sender = edge_index[0]
    receiver = edge_index[1]
    zeros = jnp.zeros((_NPAD,), jnp.float32)
    mesh = plsc.VectorSubcoreMesh(core_axis_name="c", subcore_axis_name="s")
    vm_i = lambda: pltpu.VMEM((_CHUNK,), jnp.int32)
    vm_f = lambda: pltpu.VMEM((_CHUNK,), jnp.float32)
    part = pl.kernel(
        _sc_body,
        out_type=jax.ShapeDtypeStruct((2 * _NPAD,), jnp.float32),
        mesh=mesh,
        scratch_types=(
            [vm_i(), vm_i()] + [vm_f() for _ in range(10)]
            + [vm_i(), vm_i()] + [vm_f() for _ in range(10)]
            + [pltpu.VMEM_SHARED((_NPAD,), jnp.float32) for _ in range(4)]
            + [pltpu.SemaphoreType.DMA for _ in range(4)]
        ),
    )(posp[0], posp[1], posp[2], sender, receiver, sht[0], sht[1], sht[2], zeros)
    p3 = part.reshape(2, 800, 128)
    out_pad = pl.pallas_call(
        _combine_body,
        out_shape=jax.ShapeDtypeStruct((800, 128), jnp.float32),
    )(p3)
    return out_pad.reshape(-1)[:_N]

# --- scband reference (transcript-rebuilt; emitter-appended) ---
"""Pipeline reference for scband-exponential-repulsion-block-36893769073140 (READ-ONLY COPY).

The authoritative reference and input builder live on the scoring server;
editing this copy changes nothing except your own understanding.
"""

import jax, jax.numpy as jnp
import numpy as np

N_NODES = 100000
N_EDGES = 6400000
ALPHA = 2.0


def setup_inputs(seed: int = 0) -> dict:
    key = jax.random.key(seed)
    k1, k2, k3 = jax.random.split(key, 3)
    positions = jax.random.normal(k1, (N_NODES, 3), dtype=jnp.float32)
    edge_index = jax.random.randint(k2, (2, N_EDGES), 0, N_NODES, dtype=jnp.int32)
    shifts = jax.random.normal(k3, (N_EDGES, 3), dtype=jnp.float32)
    return {"positions": positions, "edge_index": edge_index, "shifts": shifts}


def reference(positions, edge_index, shifts):
    # get_edge_vectors_and_lengths (MACE convention):
    # vectors = positions[receiver] - positions[sender] + shifts
    sender = edge_index[0]
    receiver = edge_index[1]
    vectors = positions[receiver] - positions[sender] + shifts  # [E, 3] gather
    lengths = jnp.sqrt(jnp.sum(vectors * vectors, axis=-1, keepdims=True))  # [E, 1]
    all_energies = jnp.exp(-ALPHA * lengths)  # [E, 1]
    all_energies = jnp.squeeze(all_energies, axis=-1)  # [E]
    # 0.5 * scatter_sum over receiver -> per-node energies
    energies = 0.5 * jax.ops.segment_sum(all_energies, receiver, num_segments=positions.shape[0])  # [N]
    return energies

if __name__ == "__main__":
    import jax
    _d = setup_inputs()
    print(jax.jit(kernel)(*tuple(_d.values())))

</pallas_src>

<mosaic_0001>
#map = affine_map<(d0, d1) -> (0)>
module attributes {stable_mosaic.version = 14 : i64} {
  func.func @_sc_body(%arg0: i32, %arg1: i32, %arg2: memref<102400xf32, #tpu.memory_space<hbm>>, %arg3: memref<102400xf32, #tpu.memory_space<hbm>>, %arg4: memref<102400xf32, #tpu.memory_space<hbm>>, %arg5: memref<6400000xi32, #tpu.memory_space<hbm>>, %arg6: memref<6400000xi32, #tpu.memory_space<hbm>>, %arg7: memref<6400000xf32, #tpu.memory_space<hbm>>, %arg8: memref<6400000xf32, #tpu.memory_space<hbm>>, %arg9: memref<6400000xf32, #tpu.memory_space<hbm>>, %arg10: memref<102400xf32, #tpu.memory_space<hbm>>, %arg11: memref<204800xf32, #tpu.memory_space<hbm>>, %arg12: memref<4000xi32, #tpu.memory_space<vmem>>, %arg13: memref<4000xi32, #tpu.memory_space<vmem>>, %arg14: memref<4000xf32, #tpu.memory_space<vmem>>, %arg15: memref<4000xf32, #tpu.memory_space<vmem>>, %arg16: memref<4000xf32, #tpu.memory_space<vmem>>, %arg17: memref<4000xf32, #tpu.memory_space<vmem>>, %arg18: memref<4000xf32, #tpu.memory_space<vmem>>, %arg19: memref<4000xf32, #tpu.memory_space<vmem>>, %arg20: memref<4000xf32, #tpu.memory_space<vmem>>, %arg21: memref<4000xf32, #tpu.memory_space<vmem>>, %arg22: memref<4000xf32, #tpu.memory_space<vmem>>, %arg23: memref<4000xf32, #tpu.memory_space<vmem>>, %arg24: memref<4000xi32, #tpu.memory_space<vmem>>, %arg25: memref<4000xi32, #tpu.memory_space<vmem>>, %arg26: memref<4000xf32, #tpu.memory_space<vmem>>, %arg27: memref<4000xf32, #tpu.memory_space<vmem>>, %arg28: memref<4000xf32, #tpu.memory_space<vmem>>, %arg29: memref<4000xf32, #tpu.memory_space<vmem>>, %arg30: memref<4000xf32, #tpu.memory_space<vmem>>, %arg31: memref<4000xf32, #tpu.memory_space<vmem>>, %arg32: memref<4000xf32, #tpu.memory_space<vmem>>, %arg33: memref<4000xf32, #tpu.memory_space<vmem>>, %arg34: memref<4000xf32, #tpu.memory_space<vmem>>, %arg35: memref<4000xf32, #tpu.memory_space<vmem>>, %arg36: memref<102400xf32, #tpu.memory_space<vmem_shared>>, %arg37: memref<102400xf32, #tpu.memory_space<vmem_shared>>, %arg38: memref<102400xf32, #tpu.memory_space<vmem_shared>>, %arg39: memref<102400xf32, #tpu.memory_space<vmem_shared>>, %arg40: memref<!tpu.dma_semaphore, #tpu.memory_space<semaphore_mem>>, %arg41: memref<!tpu.dma_semaphore, #tpu.memory_space<semaphore_mem>>, %arg42: memref<!tpu.dma_semaphore, #tpu.memory_space<semaphore_mem>>, %arg43: memref<!tpu.dma_semaphore, #tpu.memory_space<semaphore_mem>>) attributes {dimension_semantics = [#tpu.dimension_semantics<core_parallel>, #tpu.dimension_semantics<subcore_parallel>], iteration_bounds = array<i64: 2, 16>, scalar_prefetch = 0 : i64, scratch_operands = 32 : i64, tpu.core_type = #tpu.core_type<sc_vector_subcore>, window_params = [{transform_indices = #map}, {transform_indices = #map}, {transform_indices = #map}, {transform_indices = #map}, {transform_indices = #map}, {transform_indices = #map}, {transform_indices = #map}, {transform_indices = #map}, {transform_indices = #map}, {transform_indices = #map}]} {
    %mul3A = arith.constant 2 : i32
    %mul3A_0 = arith.muli %arg1, %mul3A : i32
    %add3A = arith.addi %mul3A_0, %arg0 : i32
    %mul3A_1 = arith.constant 6400 : i32
    %mul3A_2 = arith.muli %arg1, %mul3A_1 : i32
    "tpu.region"() ({
      %run_scoped3A = tpu.sem_alloc : memref<!tpu.dma_semaphore, #tpu.memory_space<semaphore_mem>>
      %dma_start3A_140 = tpu.memref_slice %arg36[%mul3A_2] : memref<102400xf32, #tpu.memory_space<vmem_shared>> -> memref<6400xf32, #tpu.memory_space<vmem_shared>>
      %dma_start3A_141 = tpu.memref_slice %arg2[%mul3A_2] : memref<102400xf32, #tpu.memory_space<hbm>> -> memref<6400xf32, #tpu.memory_space<hbm>>
      tpu.enqueue_dma source(%dma_start3A_141 : memref<6400xf32, #tpu.memory_space<hbm>>) target(%dma_start3A_140 : memref<6400xf32, #tpu.memory_space<vmem_shared>>) target_semaphore(%run_scoped3A : memref<!tpu.dma_semaphore, #tpu.memory_space<semaphore_mem>>)
      %dma_wait3A_142 = tpu.memref_slice %arg36[%mul3A_2] : memref<102400xf32, #tpu.memory_space<vmem_shared>> -> memref<6400xf32, #tpu.memory_space<vmem_shared>>
      %dma_wait3A_143 = tpu.memref_slice %arg2[%mul3A_2] : memref<102400xf32, #tpu.memory_space<hbm>> -> memref<6400xf32, #tpu.memory_space<hbm>>
      tpu.wait_dma2 semaphore(%run_scoped3A : memref<!tpu.dma_semaphore, #tpu.memory_space<semaphore_mem>>) src(%dma_wait3A_143 : memref<6400xf32, #tpu.memory_space<hbm>>) dst(%dma_wait3A_142 : memref<6400xf32, #tpu.memory_space<vmem_shared>>)
      tpu.yield
    }) : () -> ()
    "tpu.region"() ({
      %run_scoped3A = tpu.sem_alloc : memref<!tpu.dma_semaphore, #tpu.memory_space<semaphore_mem>>
      %dma_start3A_140 = tpu.memref_slice %arg37[%mul3A_2] : memref<102400xf32, #tpu.memory_space<vmem_shared>> -> memref<6400xf32, #tpu.memory_space<vmem_shared>>
      %dma_start3A_141 = tpu.memref_slice %arg3[%mul3A_2] : memref<102400xf32, #tpu.memory_space<hbm>> -> memref<6400xf32, #tpu.memory_space<hbm>>
      tpu.enqueue_dma source(%dma_start3A_141 : memref<6400xf32, #tpu.memory_space<hbm>>) target(%dma_start3A_140 : memref<6400xf32, #tpu.memory_space<vmem_shared>>) target_semaphore(%run_scoped3A : memref<!tpu.dma_semaphore, #tpu.memory_space<semaphore_mem>>)
      %dma_wait3A_142 = tpu.memref_slice %arg37[%mul3A_2] : memref<102400xf32, #tpu.memory_space<vmem_shared>> -> memref<6400xf32, #tpu.memory_space<vmem_shared>>
      %dma_wait3A_143 = tpu.memref_slice %arg3[%mul3A_2] : memref<102400xf32, #tpu.memory_space<hbm>> -> memref<6400xf32, #tpu.memory_space<hbm>>
      tpu.wait_dma2 semaphore(%run_scoped3A : memref<!tpu.dma_semaphore, #tpu.memory_space<semaphore_mem>>) src(%dma_wait3A_143 : memref<6400xf32, #tpu.memory_space<hbm>>) dst(%dma_wait3A_142 : memref<6400xf32, #tpu.memory_space<vmem_shared>>)
      tpu.yield
    }) : () -> ()
    "tpu.region"() ({
      %run_scoped3A = tpu.sem_alloc : memref<!tpu.dma_semaphore, #tpu.memory_space<semaphore_mem>>
      %dma_start3A_140 = tpu.memref_slice %arg38[%mul3A_2] : memref<102400xf32, #tpu.memory_space<vmem_shared>> -> memref<6400xf32, #tpu.memory_space<vmem_shared>>
      %dma_start3A_141 = tpu.memref_slice %arg4[%mul3A_2] : memref<102400xf32, #tpu.memory_space<hbm>> -> memref<6400xf32, #tpu.memory_space<hbm>>
      tpu.enqueue_dma source(%dma_start3A_141 : memref<6400xf32, #tpu.memory_space<hbm>>) target(%dma_start3A_140 : memref<6400xf32, #tpu.memory_space<vmem_shared>>) target_semaphore(%run_scoped3A : memref<!tpu.dma_semaphore, #tpu.memory_space<semaphore_mem>>)
      %dma_wait3A_142 = tpu.memref_slice %arg38[%mul3A_2] : memref<102400xf32, #tpu.memory_space<vmem_shared>> -> memref<6400xf32, #tpu.memory_space<vmem_shared>>
      %dma_wait3A_143 = tpu.memref_slice %arg4[%mul3A_2] : memref<102400xf32, #tpu.memory_space<hbm>> -> memref<6400xf32, #tpu.memory_space<hbm>>
      tpu.wait_dma2 semaphore(%run_scoped3A : memref<!tpu.dma_semaphore, #tpu.memory_space<semaphore_mem>>) src(%dma_wait3A_143 : memref<6400xf32, #tpu.memory_space<hbm>>) dst(%dma_wait3A_142 : memref<6400xf32, #tpu.memory_space<vmem_shared>>)
      tpu.yield
    }) : () -> ()
    "tpu.region"() ({
      %run_scoped3A = tpu.sem_alloc : memref<!tpu.dma_semaphore, #tpu.memory_space<semaphore_mem>>
      %dma_start3A_140 = tpu.memref_slice %arg39[%mul3A_2] : memref<102400xf32, #tpu.memory_space<vmem_shared>> -> memref<6400xf32, #tpu.memory_space<vmem_shared>>
      %dma_start3A_141 = tpu.memref_slice %arg10[%mul3A_2] : memref<102400xf32, #tpu.memory_space<hbm>> -> memref<6400xf32, #tpu.memory_space<hbm>>
      tpu.enqueue_dma source(%dma_start3A_141 : memref<6400xf32, #tpu.memory_space<hbm>>) target(%dma_start3A_140 : memref<6400xf32, #tpu.memory_space<vmem_shared>>) target_semaphore(%run_scoped3A : memref<!tpu.dma_semaphore, #tpu.memory_space<semaphore_mem>>)
      %dma_wait3A_142 = tpu.memref_slice %arg39[%mul3A_2] : memref<102400xf32, #tpu.memory_space<vmem_shared>> -> memref<6400xf32, #tpu.memory_space<vmem_shared>>
      %dma_wait3A_143 = tpu.memref_slice %arg10[%mul3A_2] : memref<102400xf32, #tpu.memory_space<hbm>> -> memref<6400xf32, #tpu.memory_space<hbm>>
      tpu.wait_dma2 semaphore(%run_scoped3A : memref<!tpu.dma_semaphore, #tpu.memory_space<semaphore_mem>>) src(%dma_wait3A_143 : memref<6400xf32, #tpu.memory_space<hbm>>) dst(%dma_wait3A_142 : memref<6400xf32, #tpu.memory_space<vmem_shared>>)
      tpu.yield
    }) : () -> ()
    %barrier3A = arith.constant 0 : index
    tpu.barrier barrier_id(%barrier3A)
    %mul3A_3 = arith.constant 200000 : i32
    %mul3A_4 = arith.muli %add3A, %mul3A_3 : i32
    %add3A_5 = arith.constant 0 : i32
    %add3A_6 = arith.addi %mul3A_4, %add3A_5 : i32
    %multiple_of3A = tpu.assume_multiple %add3A_6, 4000 : i32
    %dma_start3A = tpu.memref_slice %arg5[%multiple_of3A] : memref<6400000xi32, #tpu.memory_space<hbm>> -> memref<4000xi32, #tpu.memory_space<hbm>>
    %dma_start3A_7 = tpu.memref_slice %arg5[%multiple_of3A] : memref<6400000xi32, #tpu.memory_space<hbm>> -> memref<4000xi32, #tpu.memory_space<hbm>>
    tpu.enqueue_dma source(%dma_start3A_7 : memref<4000xi32, #tpu.memory_space<hbm>>) target(%arg12 : memref<4000xi32, #tpu.memory_space<vmem>>) target_semaphore(%arg40 : memref<!tpu.dma_semaphore, #tpu.memory_space<semaphore_mem>>)
    %dma_start3A_8 = tpu.memref_slice %arg6[%multiple_of3A] : memref<6400000xi32, #tpu.memory_space<hbm>> -> memref<4000xi32, #tpu.memory_space<hbm>>
    %dma_start3A_9 = tpu.memref_slice %arg6[%multiple_of3A] : memref<6400000xi32, #tpu.memory_space<hbm>> -> memref<4000xi32, #tpu.memory_space<hbm>>
    tpu.enqueue_dma source(%dma_start3A_9 : memref<4000xi32, #tpu.memory_space<hbm>>) target(%arg13 : memref<4000xi32, #tpu.memory_space<vmem>>) target_semaphore(%arg40 : memref<!tpu.dma_semaphore, #tpu.memory_space<semaphore_mem>>)
    %dma_start3A_10 = tpu.memref_slice %arg7[%multiple_of3A] : memref<6400000xf32, #tpu.memory_space<hbm>> -> memref<4000xf32, #tpu.memory_space<hbm>>
    %dma_start3A_11 = tpu.memref_slice %arg7[%multiple_of3A] : memref<6400000xf32, #tpu.memory_space<hbm>> -> memref<4000xf32, #tpu.memory_space<hbm>>
    tpu.enqueue_dma source(%dma_start3A_11 : memref<4000xf32, #tpu.memory_space<hbm>>) target(%arg14 : memref<4000xf32, #tpu.memory_space<vmem>>) target_semaphore(%arg40 : memref<!tpu.dma_semaphore, #tpu.memory_space<semaphore_mem>>)
    %dma_start3A_12 = tpu.memref_slice %arg8[%multiple_of3A] : memref<6400000xf32, #tpu.memory_space<hbm>> -> memref<4000xf32, #tpu.memory_space<hbm>>
    %dma_start3A_13 = tpu.memref_slice %arg8[%multiple_of3A] : memref<6400000xf32, #tpu.memory_space<hbm>> -> memref<4000xf32, #tpu.memory_space<hbm>>
    tpu.enqueue_dma source(%dma_start3A_13 : memref<4000xf32, #tpu.memory_space<hbm>>) target(%arg15 : memref<4000xf32, #tpu.memory_space<vmem>>) target_semaphore(%arg40 : memref<!tpu.dma_semaphore, #tpu.memory_space<semaphore_mem>>)
    %dma_start3A_14 = tpu.memref_slice %arg9[%multiple_of3A] : memref<6400000xf32, #tpu.memory_space<hbm>> -> memref<4000xf32, #tpu.memory_space<hbm>>
    %dma_start3A_15 = tpu.memref_slice %arg9[%multiple_of3A] : memref<6400000xf32, #tpu.memory_space<hbm>> -> memref<4000xf32, #tpu.memory_space<hbm>>
    tpu.enqueue_dma source(%dma_start3A_15 : memref<4000xf32, #tpu.memory_space<hbm>>) target(%arg16 : memref<4000xf32, #tpu.memory_space<vmem>>) target_semaphore(%arg40 : memref<!tpu.dma_semaphore, #tpu.memory_space<semaphore_mem>>)
    %dma_wait3A = arith.constant 0 : i32
    %dma_wait3A_16 = tpu.memref_slice %arg5[%dma_wait3A] : memref<6400000xi32, #tpu.memory_space<hbm>> -> memref<4000xi32, #tpu.memory_space<hbm>>
    %dma_wait3A_17 = arith.constant 0 : i32
    %dma_wait3A_18 = tpu.memref_slice %arg5[%dma_wait3A_17] : memref<6400000xi32, #tpu.memory_space<hbm>> -> memref<4000xi32, #tpu.memory_space<hbm>>
    tpu.wait_dma2 semaphore(%arg40 : memref<!tpu.dma_semaphore, #tpu.memory_space<semaphore_mem>>) src(%dma_wait3A_18 : memref<4000xi32, #tpu.memory_space<hbm>>) dst(%arg12 : memref<4000xi32, #tpu.memory_space<vmem>>)
    %dma_wait3A_19 = arith.constant 0 : i32
    %dma_wait3A_20 = tpu.memref_slice %arg6[%dma_wait3A_19] : memref<6400000xi32, #tpu.memory_space<hbm>> -> memref<4000xi32, #tpu.memory_space<hbm>>
    %dma_wait3A_21 = arith.constant 0 : i32
    %dma_wait3A_22 = tpu.memref_slice %arg6[%dma_wait3A_21] : memref<6400000xi32, #tpu.memory_space<hbm>> -> memref<4000xi32, #tpu.memory_space<hbm>>
    tpu.wait_dma2 semaphore(%arg40 : memref<!tpu.dma_semaphore, #tpu.memory_space<semaphore_mem>>) src(%dma_wait3A_22 : memref<4000xi32, #tpu.memory_space<hbm>>) dst(%arg13 : memref<4000xi32, #tpu.memory_space<vmem>>)
    %dma_wait3A_23 = arith.constant 0 : i32
    %dma_wait3A_24 = tpu.memref_slice %arg7[%dma_wait3A_23] : memref<6400000xf32, #tpu.memory_space<hbm>> -> memref<4000xf32, #tpu.memory_space<hbm>>
    %dma_wait3A_25 = arith.constant 0 : i32
    %dma_wait3A_26 = tpu.memref_slice %arg7[%dma_wait3A_25] : memref<6400000xf32, #tpu.memory_space<hbm>> -> memref<4000xf32, #tpu.memory_space<hbm>>
    tpu.wait_dma2 semaphore(%arg40 : memref<!tpu.dma_semaphore, #tpu.memory_space<semaphore_mem>>) src(%dma_wait3A_26 : memref<4000xf32, #tpu.memory_space<hbm>>) dst(%arg14 : memref<4000xf32, #tpu.memory_space<vmem>>)
    %dma_wait3A_27 = arith.constant 0 : i32
    %dma_wait3A_28 = tpu.memref_slice %arg8[%dma_wait3A_27] : memref<6400000xf32, #tpu.memory_space<hbm>> -> memref<4000xf32, #tpu.memory_space<hbm>>
    %dma_wait3A_29 = arith.constant 0 : i32
    %dma_wait3A_30 = tpu.memref_slice %arg8[%dma_wait3A_29] : memref<6400000xf32, #tpu.memory_space<hbm>> -> memref<4000xf32, #tpu.memory_space<hbm>>
    tpu.wait_dma2 semaphore(%arg40 : memref<!tpu.dma_semaphore, #tpu.memory_space<semaphore_mem>>) src(%dma_wait3A_30 : memref<4000xf32, #tpu.memory_space<hbm>>) dst(%arg15 : memref<4000xf32, #tpu.memory_space<vmem>>)
    %dma_wait3A_31 = arith.constant 0 : i32
    %dma_wait3A_32 = tpu.memref_slice %arg9[%dma_wait3A_31] : memref<6400000xf32, #tpu.memory_space<hbm>> -> memref<4000xf32, #tpu.memory_space<hbm>>
    %dma_wait3A_33 = arith.constant 0 : i32
    %dma_wait3A_34 = tpu.memref_slice %arg9[%dma_wait3A_33] : memref<6400000xf32, #tpu.memory_space<hbm>> -> memref<4000xf32, #tpu.memory_space<hbm>>
    tpu.wait_dma2 semaphore(%arg40 : memref<!tpu.dma_semaphore, #tpu.memory_space<semaphore_mem>>) src(%dma_wait3A_34 : memref<4000xf32, #tpu.memory_space<hbm>>) dst(%arg16 : memref<4000xf32, #tpu.memory_space<vmem>>)
    %dma_start3A_35 = arith.constant 0 : i32
    %dma_start3A_36 = tpu.memref_slice %arg36[%dma_start3A_35] : memref<102400xf32, #tpu.memory_space<vmem_shared>> -> memref<102400xf32, #tpu.memory_space<vmem_shared>>
    tpu.enqueue_indirect_dma source(%dma_start3A_36 : memref<102400xf32, #tpu.memory_space<vmem_shared>>) target(%arg17 : memref<4000xf32, #tpu.memory_space<vmem>>) offsets(%arg12 : memref<4000xi32, #tpu.memory_space<vmem>>) semaphore(%arg42 : memref<!tpu.dma_semaphore, #tpu.memory_space<semaphore_mem>>)
    %dma_start3A_37 = arith.constant 0 : i32
    %dma_start3A_38 = tpu.memref_slice %arg37[%dma_start3A_37] : memref<102400xf32, #tpu.memory_space<vmem_shared>> -> memref<102400xf32, #tpu.memory_space<vmem_shared>>
    tpu.enqueue_indirect_dma source(%dma_start3A_38 : memref<102400xf32, #tpu.memory_space<vmem_shared>>) target(%arg18 : memref<4000xf32, #tpu.memory_space<vmem>>) offsets(%arg12 : memref<4000xi32, #tpu.memory_space<vmem>>) semaphore(%arg42 : memref<!tpu.dma_semaphore, #tpu.memory_space<semaphore_mem>>)
    %dma_start3A_39 = arith.constant 0 : i32
    %dma_start3A_40 = tpu.memref_slice %arg38[%dma_start3A_39] : memref<102400xf32, #tpu.memory_space<vmem_shared>> -> memref<102400xf32, #tpu.memory_space<vmem_shared>>
    tpu.enqueue_indirect_dma source(%dma_start3A_40 : memref<102400xf32, #tpu.memory_space<vmem_shared>>) target(%arg19 : memref<4000xf32, #tpu.memory_space<vmem>>) offsets(%arg12 : memref<4000xi32, #tpu.memory_space<vmem>>) semaphore(%arg42 : memref<!tpu.dma_semaphore, #tpu.memory_space<semaphore_mem>>)
    %dma_start3A_41 = arith.constant 0 : i32
    %dma_start3A_42 = tpu.memref_slice %arg36[%dma_start3A_41] : memref<102400xf32, #tpu.memory_space<vmem_shared>> -> memref<102400xf32, #tpu.memory_space<vmem_shared>>
    tpu.enqueue_indirect_dma source(%dma_start3A_42 : memref<102400xf32, #tpu.memory_space<vmem_shared>>) target(%arg20 : memref<4000xf32, #tpu.memory_space<vmem>>) offsets(%arg13 : memref<4000xi32, #tpu.memory_space<vmem>>) semaphore(%arg42 : memref<!tpu.dma_semaphore, #tpu.memory_space<semaphore_mem>>)
    %dma_start3A_43 = arith.constant 0 : i32
    %dma_start3A_44 = tpu.memref_slice %arg37[%dma_start3A_43] : memref<102400xf32, #tpu.memory_space<vmem_shared>> -> memref<102400xf32, #tpu.memory_space<vmem_shared>>
    tpu.enqueue_indirect_dma source(%dma_start3A_44 : memref<102400xf32, #tpu.memory_space<vmem_shared>>) target(%arg21 : memref<4000xf32, #tpu.memory_space<vmem>>) offsets(%arg13 : memref<4000xi32, #tpu.memory_space<vmem>>) semaphore(%arg42 : memref<!tpu.dma_semaphore, #tpu.memory_space<semaphore_mem>>)
    %dma_start3A_45 = arith.constant 0 : i32
    %dma_start3A_46 = tpu.memref_slice %arg38[%dma_start3A_45] : memref<102400xf32, #tpu.memory_space<vmem_shared>> -> memref<102400xf32, #tpu.memory_space<vmem_shared>>
    tpu.enqueue_indirect_dma source(%dma_start3A_46 : memref<102400xf32, #tpu.memory_space<vmem_shared>>) target(%arg22 : memref<4000xf32, #tpu.memory_space<vmem>>) offsets(%arg13 : memref<4000xi32, #tpu.memory_space<vmem>>) semaphore(%arg42 : memref<!tpu.dma_semaphore, #tpu.memory_space<semaphore_mem>>)
    %add3A_47 = arith.constant 4000 : i32
    %add3A_48 = arith.addi %mul3A_4, %add3A_47 : i32
    %multiple_of3A_49 = tpu.assume_multiple %add3A_48, 4000 : i32
    %dma_start3A_50 = tpu.memref_slice %arg5[%multiple_of3A_49] : memref<6400000xi32, #tpu.memory_space<hbm>> -> memref<4000xi32, #tpu.memory_space<hbm>>
    %dma_start3A_51 = tpu.memref_slice %arg5[%multiple_of3A_49] : memref<6400000xi32, #tpu.memory_space<hbm>> -> memref<4000xi32, #tpu.memory_space<hbm>>
    tpu.enqueue_dma source(%dma_start3A_51 : memref<4000xi32, #tpu.memory_space<hbm>>) target(%arg24 : memref<4000xi32, #tpu.memory_space<vmem>>) target_semaphore(%arg41 : memref<!tpu.dma_semaphore, #tpu.memory_space<semaphore_mem>>)
    %dma_start3A_52 = tpu.memref_slice %arg6[%multiple_of3A_49] : memref<6400000xi32, #tpu.memory_space<hbm>> -> memref<4000xi32, #tpu.memory_space<hbm>>
    %dma_start3A_53 = tpu.memref_slice %arg6[%multiple_of3A_49] : memref<6400000xi32, #tpu.memory_space<hbm>> -> memref<4000xi32, #tpu.memory_space<hbm>>
    tpu.enqueue_dma source(%dma_start3A_53 : memref<4000xi32, #tpu.memory_space<hbm>>) target(%arg25 : memref<4000xi32, #tpu.memory_space<vmem>>) target_semaphore(%arg41 : memref<!tpu.dma_semaphore, #tpu.memory_space<semaphore_mem>>)
    %dma_start3A_54 = tpu.memref_slice %arg7[%multiple_of3A_49] : memref<6400000xf32, #tpu.memory_space<hbm>> -> memref<4000xf32, #tpu.memory_space<hbm>>
    %dma_start3A_55 = tpu.memref_slice %arg7[%multiple_of3A_49] : memref<6400000xf32, #tpu.memory_space<hbm>> -> memref<4000xf32, #tpu.memory_space<hbm>>
    tpu.enqueue_dma source(%dma_start3A_55 : memref<4000xf32, #tpu.memory_space<hbm>>) target(%arg26 : memref<4000xf32, #tpu.memory_space<vmem>>) target_semaphore(%arg41 : memref<!tpu.dma_semaphore, #tpu.memory_space<semaphore_mem>>)
    %dma_start3A_56 = tpu.memref_slice %arg8[%multiple_of3A_49] : memref<6400000xf32, #tpu.memory_space<hbm>> -> memref<4000xf32, #tpu.memory_space<hbm>>
    %dma_start3A_57 = tpu.memref_slice %arg8[%multiple_of3A_49] : memref<6400000xf32, #tpu.memory_space<hbm>> -> memref<4000xf32, #tpu.memory_space<hbm>>
    tpu.enqueue_dma source(%dma_start3A_57 : memref<4000xf32, #tpu.memory_space<hbm>>) target(%arg27 : memref<4000xf32, #tpu.memory_space<vmem>>) target_semaphore(%arg41 : memref<!tpu.dma_semaphore, #tpu.memory_space<semaphore_mem>>)
    %dma_start3A_58 = tpu.memref_slice %arg9[%multiple_of3A_49] : memref<6400000xf32, #tpu.memory_space<hbm>> -> memref<4000xf32, #tpu.memory_space<hbm>>
    %dma_start3A_59 = tpu.memref_slice %arg9[%multiple_of3A_49] : memref<6400000xf32, #tpu.memory_space<hbm>> -> memref<4000xf32, #tpu.memory_space<hbm>>
    tpu.enqueue_dma source(%dma_start3A_59 : memref<4000xf32, #tpu.memory_space<hbm>>) target(%arg28 : memref<4000xf32, #tpu.memory_space<vmem>>) target_semaphore(%arg41 : memref<!tpu.dma_semaphore, #tpu.memory_space<semaphore_mem>>)
    %scan3A = arith.constant 0 : i32
    %scan3A_60 = arith.constant 0 : i32
    %scan3A_61 = arith.constant 24 : i32
    %scan3A_62 = arith.addi %scan3A_60, %scan3A_61 : i32
    %scan3A_63 = arith.constant 1 : i32
    scf.for %scan3A_140 = %scan3A_60 to %scan3A_62 step %scan3A_63  : i32 {
      %mul3A_141 = arith.constant 2 : i32
      %mul3A_142 = arith.muli %scan3A_140, %mul3A_141 : i32
      %dma_wait3A_143 = arith.constant 0 : i32
      %dma_wait3A_144 = tpu.memref_slice %arg5[%dma_wait3A_143] : memref<6400000xi32, #tpu.memory_space<hbm>> -> memref<4000xi32, #tpu.memory_space<hbm>>
      %dma_wait3A_145 = arith.constant 0 : i32
      %dma_wait3A_146 = tpu.memref_slice %arg5[%dma_wait3A_145] : memref<6400000xi32, #tpu.memory_space<hbm>> -> memref<4000xi32, #tpu.memory_space<hbm>>
      tpu.wait_dma2 semaphore(%arg41 : memref<!tpu.dma_semaphore, #tpu.memory_space<semaphore_mem>>) src(%dma_wait3A_146 : memref<4000xi32, #tpu.memory_space<hbm>>) dst(%arg24 : memref<4000xi32, #tpu.memory_space<vmem>>)
      %dma_wait3A_147 = arith.constant 0 : i32
      %dma_wait3A_148 = tpu.memref_slice %arg6[%dma_wait3A_147] : memref<6400000xi32, #tpu.memory_space<hbm>> -> memref<4000xi32, #tpu.memory_space<hbm>>
      %dma_wait3A_149 = arith.constant 0 : i32
      %dma_wait3A_150 = tpu.memref_slice %arg6[%dma_wait3A_149] : memref<6400000xi32, #tpu.memory_space<hbm>> -> memref<4000xi32, #tpu.memory_space<hbm>>
      tpu.wait_dma2 semaphore(%arg41 : memref<!tpu.dma_semaphore, #tpu.memory_space<semaphore_mem>>) src(%dma_wait3A_150 : memref<4000xi32, #tpu.memory_space<hbm>>) dst(%arg25 : memref<4000xi32, #tpu.memory_space<vmem>>)
      %dma_wait3A_151 = arith.constant 0 : i32
      %dma_wait3A_152 = tpu.memref_slice %arg7[%dma_wait3A_151] : memref<6400000xf32, #tpu.memory_space<hbm>> -> memref<4000xf32, #tpu.memory_space<hbm>>
      %dma_wait3A_153 = arith.constant 0 : i32
      %dma_wait3A_154 = tpu.memref_slice %arg7[%dma_wait3A_153] : memref<6400000xf32, #tpu.memory_space<hbm>> -> memref<4000xf32, #tpu.memory_space<hbm>>
      tpu.wait_dma2 semaphore(%arg41 : memref<!tpu.dma_semaphore, #tpu.memory_space<semaphore_mem>>) src(%dma_wait3A_154 : memref<4000xf32, #tpu.memory_space<hbm>>) dst(%arg26 : memref<4000xf32, #tpu.memory_space<vmem>>)
      %dma_wait3A_155 = arith.constant 0 : i32
      %dma_wait3A_156 = tpu.memref_slice %arg8[%dma_wait3A_155] : memref<6400000xf32, #tpu.memory_space<hbm>> -> memref<4000xf32, #tpu.memory_space<hbm>>
      %dma_wait3A_157 = arith.constant 0 : i32
      %dma_wait3A_158 = tpu.memref_slice %arg8[%dma_wait3A_157] : memref<6400000xf32, #tpu.memory_space<hbm>> -> memref<4000xf32, #tpu.memory_space<hbm>>
      tpu.wait_dma2 semaphore(%arg41 : memref<!tpu.dma_semaphore, #tpu.memory_space<semaphore_mem>>) src(%dma_wait3A_158 : memref<4000xf32, #tpu.memory_space<hbm>>) dst(%arg27 : memref<4000xf32, #tpu.memory_space<vmem>>)
      %dma_wait3A_159 = arith.constant 0 : i32
      %dma_wait3A_160 = tpu.memref_slice %arg9[%dma_wait3A_159] : memref<6400000xf32, #tpu.memory_space<hbm>> -> memref<4000xf32, #tpu.memory_space<hbm>>
      %dma_wait3A_161 = arith.constant 0 : i32
      %dma_wait3A_162 = tpu.memref_slice %arg9[%dma_wait3A_161] : memref<6400000xf32, #tpu.memory_space<hbm>> -> memref<4000xf32, #tpu.memory_space<hbm>>
      tpu.wait_dma2 semaphore(%arg41 : memref<!tpu.dma_semaphore, #tpu.memory_space<semaphore_mem>>) src(%dma_wait3A_162 : memref<4000xf32, #tpu.memory_space<hbm>>) dst(%arg28 : memref<4000xf32, #tpu.memory_space<vmem>>)
      %dma_wait3A_163 = arith.constant 0 : i32
      %dma_wait3A_164 = tpu.memref_slice %arg36[%dma_wait3A_163] : memref<102400xf32, #tpu.memory_space<vmem_shared>> -> memref<102400xf32, #tpu.memory_space<vmem_shared>>
      tpu.wait_indirect_dma semaphore(%arg42 : memref<!tpu.dma_semaphore, #tpu.memory_space<semaphore_mem>>) src(%dma_wait3A_164 : memref<102400xf32, #tpu.memory_space<vmem_shared>>) dst(%arg17 : memref<4000xf32, #tpu.memory_space<vmem>>)
      %dma_wait3A_165 = arith.constant 0 : i32
      %dma_wait3A_166 = tpu.memref_slice %arg37[%dma_wait3A_165] : memref<102400xf32, #tpu.memory_space<vmem_shared>> -> memref<102400xf32, #tpu.memory_space<vmem_shared>>
      tpu.wait_indirect_dma semaphore(%arg42 : memref<!tpu.dma_semaphore, #tpu.memory_space<semaphore_mem>>) src(%dma_wait3A_166 : memref<102400xf32, #tpu.memory_space<vmem_shared>>) dst(%arg18 : memref<4000xf32, #tpu.memory_space<vmem>>)
      %dma_wait3A_167 = arith.constant 0 : i32
      %dma_wait3A_168 = tpu.memref_slice %arg38[%dma_wait3A_167] : memref<102400xf32, #tpu.memory_space<vmem_shared>> -> memref<102400xf32, #tpu.memory_space<vmem_shared>>
      tpu.wait_indirect_dma semaphore(%arg42 : memref<!tpu.dma_semaphore, #tpu.memory_space<semaphore_mem>>) src(%dma_wait3A_168 : memref<102400xf32, #tpu.memory_space<vmem_shared>>) dst(%arg19 : memref<4000xf32, #tpu.memory_space<vmem>>)
      %dma_wait3A_169 = arith.constant 0 : i32
      %dma_wait3A_170 = tpu.memref_slice %arg36[%dma_wait3A_169] : memref<102400xf32, #tpu.memory_space<vmem_shared>> -> memref<102400xf32, #tpu.memory_space<vmem_shared>>
      tpu.wait_indirect_dma semaphore(%arg42 : memref<!tpu.dma_semaphore, #tpu.memory_space<semaphore_mem>>) src(%dma_wait3A_170 : memref<102400xf32, #tpu.memory_space<vmem_shared>>) dst(%arg20 : memref<4000xf32, #tpu.memory_space<vmem>>)
      %dma_wait3A_171 = arith.constant 0 : i32
      %dma_wait3A_172 = tpu.memref_slice %arg37[%dma_wait3A_171] : memref<102400xf32, #tpu.memory_space<vmem_shared>> -> memref<102400xf32, #tpu.memory_space<vmem_shared>>
      tpu.wait_indirect_dma semaphore(%arg42 : memref<!tpu.dma_semaphore, #tpu.memory_space<semaphore_mem>>) src(%dma_wait3A_172 : memref<102400xf32, #tpu.memory_space<vmem_shared>>) dst(%arg21 : memref<4000xf32, #tpu.memory_space<vmem>>)
      %dma_wait3A_173 = arith.constant 0 : i32
      %dma_wait3A_174 = tpu.memref_slice %arg38[%dma_wait3A_173] : memref<102400xf32, #tpu.memory_space<vmem_shared>> -> memref<102400xf32, #tpu.memory_space<vmem_shared>>
      tpu.wait_indirect_dma semaphore(%arg42 : memref<!tpu.dma_semaphore, #tpu.memory_space<semaphore_mem>>) src(%dma_wait3A_174 : memref<102400xf32, #tpu.memory_space<vmem_shared>>) dst(%arg22 : memref<4000xf32, #tpu.memory_space<vmem>>)
      %dma_start3A_175 = arith.constant 0 : i32
      %dma_start3A_176 = tpu.memref_slice %arg36[%dma_start3A_175] : memref<102400xf32, #tpu.memory_space<vmem_shared>> -> memref<102400xf32, #tpu.memory_space<vmem_shared>>
      tpu.enqueue_indirect_dma source(%dma_start3A_176 : memref<102400xf32, #tpu.memory_space<vmem_shared>>) target(%arg29 : memref<4000xf32, #tpu.memory_space<vmem>>) offsets(%arg24 : memref<4000xi32, #tpu.memory_space<vmem>>) semaphore(%arg43 : memref<!tpu.dma_semaphore, #tpu.memory_space<semaphore_mem>>)
      %dma_start3A_177 = arith.constant 0 : i32
      %dma_start3A_178 = tpu.memref_slice %arg37[%dma_start3A_177] : memref<102400xf32, #tpu.memory_space<vmem_shared>> -> memref<102400xf32, #tpu.memory_space<vmem_shared>>
      tpu.enqueue_indirect_dma source(%dma_start3A_178 : memref<102400xf32, #tpu.memory_space<vmem_shared>>) target(%arg30 : memref<4000xf32, #tpu.memory_space<vmem>>) offsets(%arg24 : memref<4000xi32, #tpu.memory_space<vmem>>) semaphore(%arg43 : memref<!tpu.dma_semaphore, #tpu.memory_space<semaphore_mem>>)
      %dma_start3A_179 = arith.constant 0 : i32
      %dma_start3A_180 = tpu.memref_slice %arg38[%dma_start3A_179] : memref<102400xf32, #tpu.memory_space<vmem_shared>> -> memref<102400xf32, #tpu.memory_space<vmem_shared>>
      tpu.enqueue_indirect_dma source(%dma_start3A_180 : memref<102400xf32, #tpu.memory_space<vmem_shared>>) target(%arg31 : memref<4000xf32, #tpu.memory_space<vmem>>) offsets(%arg24 : memref<4000xi32, #tpu.memory_space<vmem>>) semaphore(%arg43 : memref<!tpu.dma_semaphore, #tpu.memory_space<semaphore_mem>>)
      %dma_start3A_181 = arith.constant 0 : i32
      %dma_start3A_182 = tpu.memref_slice %arg36[%dma_start3A_181] : memref<102400xf32, #tpu.memory_space<vmem_shared>> -> memref<102400xf32, #tpu.memory_space<vmem_shared>>
      tpu.enqueue_indirect_dma source(%dma_start3A_182 : memref<102400xf32, #tpu.memory_space<vmem_shared>>) target(%arg32 : memref<4000xf32, #tpu.memory_space<vmem>>) offsets(%arg25 : memref<4000xi32, #tpu.memory_space<vmem>>) semaphore(%arg43 : memref<!tpu.dma_semaphore, #tpu.memory_space<semaphore_mem>>)
      %dma_start3A_183 = arith.constant 0 : i32
      %dma_start3A_184 = tpu.memref_slice %arg37[%dma_start3A_183] : memref<102400xf32, #tpu.memory_space<vmem_shared>> -> memref<102400xf32, #tpu.memory_space<vmem_shared>>
      tpu.enqueue_indirect_dma source(%dma_start3A_184 : memref<102400xf32, #tpu.memory_space<vmem_shared>>) target(%arg33 : memref<4000xf32, #tpu.memory_space<vmem>>) offsets(%arg25 : memref<4000xi32, #tpu.memory_space<vmem>>) semaphore(%arg43 : memref<!tpu.dma_semaphore, #tpu.memory_space<semaphore_mem>>)
      %dma_start3A_185 = arith.constant 0 : i32
      %dma_start3A_186 = tpu.memref_slice %arg38[%dma_start3A_185] : memref<102400xf32, #tpu.memory_space<vmem_shared>> -> memref<102400xf32, #tpu.memory_space<vmem_shared>>
      tpu.enqueue_indirect_dma source(%dma_start3A_186 : memref<102400xf32, #tpu.memory_space<vmem_shared>>) target(%arg34 : memref<4000xf32, #tpu.memory_space<vmem>>) offsets(%arg25 : memref<4000xi32, #tpu.memory_space<vmem>>) semaphore(%arg43 : memref<!tpu.dma_semaphore, #tpu.memory_space<semaphore_mem>>)
      %scan3A_187 = arith.constant 0 : i32
      %scan3A_188 = arith.constant 0 : i32
      %scan3A_189 = arith.constant 250 : i32
      %scan3A_190 = arith.addi %scan3A_188, %scan3A_189 : i32
      %scan3A_191 = arith.constant 1 : i32
      scf.for %scan3A_279 = %scan3A_188 to %scan3A_190 step %scan3A_191  : i32 {
        %mul3A_280 = arith.constant 16 : i32
        %mul3A_281 = arith.muli %scan3A_279, %mul3A_280 : i32
        %get3A = arith.index_cast %mul3A_281 : i32 to index
        %get3A_282 = tpu.vector_load %arg20[%get3A] {strides = array<i32>} : memref<4000xf32, #tpu.memory_space<vmem>>, vector<16xf32>,
        %get3A_283 = vector.shape_cast %get3A_282 : vector<16xf32> to vector<16xf32>
        %get3A_284 = arith.index_cast %mul3A_281 : i32 to index
        %get3A_285 = tpu.vector_load %arg17[%get3A_284] {strides = array<i32>} : memref<4000xf32, #tpu.memory_space<vmem>>, vector<16xf32>,
        %get3A_286 = vector.shape_cast %get3A_285 : vector<16xf32> to vector<16xf32>
        %sub3A = arith.subf %get3A_283, %get3A_286 : vector<16xf32>
        %get3A_287 = arith.index_cast %mul3A_281 : i32 to index
        %get3A_288 = tpu.vector_load %arg14[%get3A_287] {strides = array<i32>} : memref<4000xf32, #tpu.memory_space<vmem>>, vector<16xf32>,
        %get3A_289 = vector.shape_cast %get3A_288 : vector<16xf32> to vector<16xf32>
        %add3A_290 = arith.addf %sub3A, %get3A_289 : vector<16xf32>
        %get3A_291 = arith.index_cast %mul3A_281 : i32 to index
        %get3A_292 = tpu.vector_load %arg21[%get3A_291] {strides = array<i32>} : memref<4000xf32, #tpu.memory_space<vmem>>, vector<16xf32>,
        %get3A_293 = vector.shape_cast %get3A_292 : vector<16xf32> to vector<16xf32>
        %get3A_294 = arith.index_cast %mul3A_281 : i32 to index
        %get3A_295 = tpu.vector_load %arg18[%get3A_294] {strides = array<i32>} : memref<4000xf32, #tpu.memory_space<vmem>>, vector<16xf32>,
        %get3A_296 = vector.shape_cast %get3A_295 : vector<16xf32> to vector<16xf32>
        %sub3A_297 = arith.subf %get3A_293, %get3A_296 : vector<16xf32>
        %get3A_298 = arith.index_cast %mul3A_281 : i32 to index
        %get3A_299 = tpu.vector_load %arg15[%get3A_298] {strides = array<i32>} : memref<4000xf32, #tpu.memory_space<vmem>>, vector<16xf32>,
        %get3A_300 = vector.shape_cast %get3A_299 : vector<16xf32> to vector<16xf32>
        %add3A_301 = arith.addf %sub3A_297, %get3A_300 : vector<16xf32>
        %get3A_302 = arith.index_cast %mul3A_281 : i32 to index
        %get3A_303 = tpu.vector_load %arg22[%get3A_302] {strides = array<i32>} : memref<4000xf32, #tpu.memory_space<vmem>>, vector<16xf32>,
        %get3A_304 = vector.shape_cast %get3A_303 : vector<16xf32> to vector<16xf32>
        %get3A_305 = arith.index_cast %mul3A_281 : i32 to index
        %get3A_306 = tpu.vector_load %arg19[%get3A_305] {strides = array<i32>} : memref<4000xf32, #tpu.memory_space<vmem>>, vector<16xf32>,
        %get3A_307 = vector.shape_cast %get3A_306 : vector<16xf32> to vector<16xf32>
        %sub3A_308 = arith.subf %get3A_304, %get3A_307 : vector<16xf32>
        %get3A_309 = arith.index_cast %mul3A_281 : i32 to index
        %get3A_310 = tpu.vector_load %arg16[%get3A_309] {strides = array<i32>} : memref<4000xf32, #tpu.memory_space<vmem>>, vector<16xf32>,
        %get3A_311 = vector.shape_cast %get3A_310 : vector<16xf32> to vector<16xf32>
        %add3A_312 = arith.addf %sub3A_308, %get3A_311 : vector<16xf32>
        %mul3A_313 = arith.mulf %add3A_290, %add3A_290 : vector<16xf32>
        %mul3A_314 = arith.mulf %add3A_301, %add3A_301 : vector<16xf32>
        %add3A_315 = arith.addf %mul3A_313, %mul3A_314 : vector<16xf32>
        %mul3A_316 = arith.mulf %add3A_312, %add3A_312 : vector<16xf32>
        %add3A_317 = arith.addf %add3A_315, %mul3A_316 : vector<16xf32>
        %bitcast_convert_type3A = tpu.bitcast %add3A_317 : vector<16xf32> -> vector<16xi32>
        %shift_right_logical3A = arith.constant 1 : i32
        %shift_right_logical3A_318 = vector.broadcast %shift_right_logical3A : i32 to vector<16xi32>
        %shift_right_logical3A_319 = arith.shrui %bitcast_convert_type3A, %shift_right_logical3A_318 : vector<16xi32>
        %sub3A_320 = arith.constant 1597463007 : i32
        %sub3A_321 = vector.broadcast %sub3A_320 : i32 to vector<16xi32>
        %sub3A_322 = arith.subi %sub3A_321, %shift_right_logical3A_319 : vector<16xi32>
        %bitcast_convert_type3A_323 = tpu.bitcast %sub3A_322 : vector<16xi32> -> vector<16xf32>
        %mul3A_324 = arith.constant 5.000000e-01 : f32
        %mul3A_325 = vector.broadcast %mul3A_324 : f32 to vector<16xf32>
        %mul3A_326 = arith.mulf %mul3A_325, %add3A_317 : vector<16xf32>
        %mul3A_327 = arith.mulf %mul3A_326, %bitcast_convert_type3A_323 : vector<16xf32>
        %mul3A_328 = arith.mulf %mul3A_327, %bitcast_convert_type3A_323 : vector<16xf32>
        %sub3A_329 = arith.constant 1.500000e+00 : f32
        %sub3A_330 = vector.broadcast %sub3A_329 : f32 to vector<16xf32>
        %sub3A_331 = arith.subf %sub3A_330, %mul3A_328 : vector<16xf32>
        %mul3A_332 = arith.mulf %bitcast_convert_type3A_323, %sub3A_331 : vector<16xf32>
        %mul3A_333 = arith.mulf %mul3A_326, %mul3A_332 : vector<16xf32>
        %mul3A_334 = arith.mulf %mul3A_333, %mul3A_332 : vector<16xf32>
        %sub3A_335 = arith.constant 1.500000e+00 : f32
        %sub3A_336 = vector.broadcast %sub3A_335 : f32 to vector<16xf32>
        %sub3A_337 = arith.subf %sub3A_336, %mul3A_334 : vector<16xf32>
        %mul3A_338 = arith.mulf %mul3A_332, %sub3A_337 : vector<16xf32>
        %mul3A_339 = arith.mulf %mul3A_326, %mul3A_338 : vector<16xf32>
        %mul3A_340 = arith.mulf %mul3A_339, %mul3A_338 : vector<16xf32>
        %sub3A_341 = arith.constant 1.500000e+00 : f32
        %sub3A_342 = vector.broadcast %sub3A_341 : f32 to vector<16xf32>
        %sub3A_343 = arith.subf %sub3A_342, %mul3A_340 : vector<16xf32>
        %mul3A_344 = arith.mulf %mul3A_338, %sub3A_343 : vector<16xf32>
        %mul3A_345 = arith.mulf %add3A_317, %mul3A_344 : vector<16xf32>
        %mul3A_346 = arith.constant -2.000000e+00 : f32
        %mul3A_347 = vector.broadcast %mul3A_346 : f32 to vector<16xf32>
        %mul3A_348 = arith.mulf %mul3A_347, %mul3A_345 : vector<16xf32>
        %exp3A = math.exp %mul3A_348 : vector<16xf32>
        %swap3A = arith.index_cast %mul3A_281 : i32 to index
        %swap3A_349 = tpu.vector_load %arg23[%swap3A] {strides = array<i32>} : memref<4000xf32, #tpu.memory_space<vmem>>, vector<16xf32>,
        %swap3A_350 = vector.shape_cast %swap3A_349 : vector<16xf32> to vector<16xf32>
        %swap3A_351 = vector.shape_cast %exp3A : vector<16xf32> to vector<16xf32>
        tpu.vector_store %arg23[%swap3A], %swap3A_351 {strides = array<i32>} : memref<4000xf32, #tpu.memory_space<vmem>>, vector<16xf32>,
      }
      %scan3A_192 = arith.constant 250 : i32
      "tpu.region"() ({
        %run_scoped3A = tpu.sem_alloc : memref<!tpu.dma_semaphore, #tpu.memory_space<semaphore_mem>>
        %dma_start3A_279 = arith.constant 0 : i32
        %dma_start3A_280 = tpu.memref_slice %arg39[%dma_start3A_279] : memref<102400xf32, #tpu.memory_space<vmem_shared>> -> memref<102400xf32, #tpu.memory_space<vmem_shared>>
        tpu.enqueue_indirect_dma source(%arg23 : memref<4000xf32, #tpu.memory_space<vmem>>) target(%dma_start3A_280 : memref<102400xf32, #tpu.memory_space<vmem_shared>>) offsets(%arg13 : memref<4000xi32, #tpu.memory_space<vmem>>) semaphore(%run_scoped3A : memref<!tpu.dma_semaphore, #tpu.memory_space<semaphore_mem>>) {add = true}
        %dma_wait3A_281 = arith.constant 0 : i32
        %dma_wait3A_282 = tpu.memref_slice %arg39[%dma_wait3A_281] : memref<102400xf32, #tpu.memory_space<vmem_shared>> -> memref<102400xf32, #tpu.memory_space<vmem_shared>>
        tpu.wait_indirect_dma semaphore(%run_scoped3A : memref<!tpu.dma_semaphore, #tpu.memory_space<semaphore_mem>>) src(%arg23 : memref<4000xf32, #tpu.memory_space<vmem>>) dst(%dma_wait3A_282 : memref<102400xf32, #tpu.memory_space<vmem_shared>>)
        tpu.yield
      }) : () -> ()
      %add3A_193 = arith.constant 2 : i32
      %add3A_194 = arith.addi %mul3A_142, %add3A_193 : i32
      %mul3A_195 = arith.constant 4000 : i32
      %mul3A_196 = arith.muli %add3A_194, %mul3A_195 : i32
      %add3A_197 = arith.addi %mul3A_4, %mul3A_196 : i32
      %multiple_of3A_198 = tpu.assume_multiple %add3A_197, 4000 : i32
      %dma_start3A_199 = tpu.memref_slice %arg5[%multiple_of3A_198] : memref<6400000xi32, #tpu.memory_space<hbm>> -> memref<4000xi32, #tpu.memory_space<hbm>>
      %dma_start3A_200 = tpu.memref_slice %arg5[%multiple_of3A_198] : memref<6400000xi32, #tpu.memory_space<hbm>> -> memref<4000xi32, #tpu.memory_space<hbm>>
      tpu.enqueue_dma source(%dma_start3A_200 : memref<4000xi32, #tpu.memory_space<hbm>>) target(%arg12 : memref<4000xi32, #tpu.memory_space<vmem>>) target_semaphore(%arg40 : memref<!tpu.dma_semaphore, #tpu.memory_space<semaphore_mem>>)
      %dma_start3A_201 = tpu.memref_slice %arg6[%multiple_of3A_198] : memref<6400000xi32, #tpu.memory_space<hbm>> -> memref<4000xi32, #tpu.memory_space<hbm>>
      %dma_start3A_202 = tpu.memref_slice %arg6[%multiple_of3A_198] : memref<6400000xi32, #tpu.memory_space<hbm>> -> memref<4000xi32, #tpu.memory_space<hbm>>
      tpu.enqueue_dma source(%dma_start3A_202 : memref<4000xi32, #tpu.memory_space<hbm>>) target(%arg13 : memref<4000xi32, #tpu.memory_space<vmem>>) target_semaphore(%arg40 : memref<!tpu.dma_semaphore, #tpu.memory_space<semaphore_mem>>)
      %dma_start3A_203 = tpu.memref_slice %arg7[%multiple_of3A_198] : memref<6400000xf32, #tpu.memory_space<hbm>> -> memref<4000xf32, #tpu.memory_space<hbm>>
      %dma_start3A_204 = tpu.memref_slice %arg7[%multiple_of3A_198] : memref<6400000xf32, #tpu.memory_space<hbm>> -> memref<4000xf32, #tpu.memory_space<hbm>>
      tpu.enqueue_dma source(%dma_start3A_204 : memref<4000xf32, #tpu.memory_space<hbm>>) target(%arg14 : memref<4000xf32, #tpu.memory_space<vmem>>) target_semaphore(%arg40 : memref<!tpu.dma_semaphore, #tpu.memory_space<semaphore_mem>>)
      %dma_start3A_205 = tpu.memref_slice %arg8[%multiple_of3A_198] : memref<6400000xf32, #tpu.memory_space<hbm>> -> memref<4000xf32, #tpu.memory_space<hbm>>
      %dma_start3A_206 = tpu.memref_slice %arg8[%multiple_of3A_198] : memref<6400000xf32, #tpu.memory_space<hbm>> -> memref<4000xf32, #tpu.memory_space<hbm>>
      tpu.enqueue_dma source(%dma_start3A_206 : memref<4000xf32, #tpu.memory_space<hbm>>) target(%arg15 : memref<4000xf32, #tpu.memory_space<vmem>>) target_semaphore(%arg40 : memref<!tpu.dma_semaphore, #tpu.memory_space<semaphore_mem>>)
      %dma_start3A_207 = tpu.memref_slice %arg9[%multiple_of3A_198] : memref<6400000xf32, #tpu.memory_space<hbm>> -> memref<4000xf32, #tpu.memory_space<hbm>>
      %dma_start3A_208 = tpu.memref_slice %arg9[%multiple_of3A_198] : memref<6400000xf32, #tpu.memory_space<hbm>> -> memref<4000xf32, #tpu.memory_space<hbm>>
      tpu.enqueue_dma source(%dma_start3A_208 : memref<4000xf32, #tpu.memory_space<hbm>>) target(%arg16 : memref<4000xf32, #tpu.memory_space<vmem>>) target_semaphore(%arg40 : memref<!tpu.dma_semaphore, #tpu.memory_space<semaphore_mem>>)
      %add3A_209 = arith.constant 1 : i32
      %add3A_210 = arith.addi %mul3A_142, %add3A_209 : i32
      %dma_wait3A_211 = arith.constant 0 : i32
      %dma_wait3A_212 = tpu.memref_slice %arg5[%dma_wait3A_211] : memref<6400000xi32, #tpu.memory_space<hbm>> -> memref<4000xi32, #tpu.memory_space<hbm>>
      %dma_wait3A_213 = arith.constant 0 : i32
      %dma_wait3A_214 = tpu.memref_slice %arg5[%dma_wait3A_213] : memref<6400000xi32, #tpu.memory_space<hbm>> -> memref<4000xi32, #tpu.memory_space<hbm>>
      tpu.wait_dma2 semaphore(%arg40 : memref<!tpu.dma_semaphore, #tpu.memory_space<semaphore_mem>>) src(%dma_wait3A_214 : memref<4000xi32, #tpu.memory_space<hbm>>) dst(%arg12 : memref<4000xi32, #tpu.memory_space<vmem>>)
      %dma_wait3A_215 = arith.constant 0 : i32
      %dma_wait3A_216 = tpu.memref_slice %arg6[%dma_wait3A_215] : memref<6400000xi32, #tpu.memory_space<hbm>> -> memref<4000xi32, #tpu.memory_space<hbm>>
      %dma_wait3A_217 = arith.constant 0 : i32
      %dma_wait3A_218 = tpu.memref_slice %arg6[%dma_wait3A_217] : memref<6400000xi32, #tpu.memory_space<hbm>> -> memref<4000xi32, #tpu.memory_space<hbm>>
      tpu.wait_dma2 semaphore(%arg40 : memref<!tpu.dma_semaphore, #tpu.memory_space<semaphore_mem>>) src(%dma_wait3A_218 : memref<4000xi32, #tpu.memory_space<hbm>>) dst(%arg13 : memref<4000xi32, #tpu.memory_space<vmem>>)
      %dma_wait3A_219 = arith.constant 0 : i32
      %dma_wait3A_220 = tpu.memref_slice %arg7[%dma_wait3A_219] : memref<6400000xf32, #tpu.memory_space<hbm>> -> memref<4000xf32, #tpu.memory_space<hbm>>
      %dma_wait3A_221 = arith.constant 0 : i32
      %dma_wait3A_222 = tpu.memref_slice %arg7[%dma_wait3A_221] : memref<6400000xf32, #tpu.memory_space<hbm>> -> memref<4000xf32, #tpu.memory_space<hbm>>
      tpu.wait_dma2 semaphore(%arg40 : memref<!tpu.dma_semaphore, #tpu.memory_space<semaphore_mem>>) src(%dma_wait3A_222 : memref<4000xf32, #tpu.memory_space<hbm>>) dst(%arg14 : memref<4000xf32, #tpu.memory_space<vmem>>)
      %dma_wait3A_223 = arith.constant 0 : i32
      %dma_wait3A_224 = tpu.memref_slice %arg8[%dma_wait3A_223] : memref<6400000xf32, #tpu.memory_space<hbm>> -> memref<4000xf32, #tpu.memory_space<hbm>>
      %dma_wait3A_225 = arith.constant 0 : i32
      %dma_wait3A_226 = tpu.memref_slice %arg8[%dma_wait3A_225] : memref<6400000xf32, #tpu.memory_space<hbm>> -> memref<4000xf32, #tpu.memory_space<hbm>>
      tpu.wait_dma2 semaphore(%arg40 : memref<!tpu.dma_semaphore, #tpu.memory_space<semaphore_mem>>) src(%dma_wait3A_226 : memref<4000xf32, #tpu.memory_space<hbm>>) dst(%arg15 : memref<4000xf32, #tpu.memory_space<vmem>>)
      %dma_wait3A_227 = arith.constant 0 : i32
      %dma_wait3A_228 = tpu.memref_slice %arg9[%dma_wait3A_227] : memref<6400000xf32, #tpu.memory_space<hbm>> -> memref<4000xf32, #tpu.memory_space<hbm>>
      %dma_wait3A_229 = arith.constant 0 : i32
      %dma_wait3A_230 = tpu.memref_slice %arg9[%dma_wait3A_229] : memref<6400000xf32, #tpu.memory_space<hbm>> -> memref<4000xf32, #tpu.memory_space<hbm>>
      tpu.wait_dma2 semaphore(%arg40 : memref<!tpu.dma_semaphore, #tpu.memory_space<semaphore_mem>>) src(%dma_wait3A_230 : memref<4000xf32, #tpu.memory_space<hbm>>) dst(%arg16 : memref<4000xf32, #tpu.memory_space<vmem>>)
      %dma_wait3A_231 = arith.constant 0 : i32
      %dma_wait3A_232 = tpu.memref_slice %arg36[%dma_wait3A_231] : memref<102400xf32, #tpu.memory_space<vmem_shared>> -> memref<102400xf32, #tpu.memory_space<vmem_shared>>
      tpu.wait_indirect_dma semaphore(%arg43 : memref<!tpu.dma_semaphore, #tpu.memory_space<semaphore_mem>>) src(%dma_wait3A_232 : memref<102400xf32, #tpu.memory_space<vmem_shared>>) dst(%arg29 : memref<4000xf32, #tpu.memory_space<vmem>>)
      %dma_wait3A_233 = arith.constant 0 : i32
      %dma_wait3A_234 = tpu.memref_slice %arg37[%dma_wait3A_233] : memref<102400xf32, #tpu.memory_space<vmem_shared>> -> memref<102400xf32, #tpu.memory_space<vmem_shared>>
      tpu.wait_indirect_dma semaphore(%arg43 : memref<!tpu.dma_semaphore, #tpu.memory_space<semaphore_mem>>) src(%dma_wait3A_234 : memref<102400xf32, #tpu.memory_space<vmem_shared>>) dst(%arg30 : memref<4000xf32, #tpu.memory_space<vmem>>)
      %dma_wait3A_235 = arith.constant 0 : i32
      %dma_wait3A_236 = tpu.memref_slice %arg38[%dma_wait3A_235] : memref<102400xf32, #tpu.memory_space<vmem_shared>> -> memref<102400xf32, #tpu.memory_space<vmem_shared>>
      tpu.wait_indirect_dma semaphore(%arg43 : memref<!tpu.dma_semaphore, #tpu.memory_space<semaphore_mem>>) src(%dma_wait3A_236 : memref<102400xf32, #tpu.memory_space<vmem_shared>>) dst(%arg31 : memref<4000xf32, #tpu.memory_space<vmem>>)
      %dma_wait3A_237 = arith.constant 0 : i32
      %dma_wait3A_238 = tpu.memref_slice %arg36[%dma_wait3A_237] : memref<102400xf32, #tpu.memory_space<vmem_shared>> -> memref<102400xf32, #tpu.memory_space<vmem_shared>>
      tpu.wait_indirect_dma semaphore(%arg43 : memref<!tpu.dma_semaphore, #tpu.memory_space<semaphore_mem>>) src(%dma_wait3A_238 : memref<102400xf32, #tpu.memory_space<vmem_shared>>) dst(%arg32 : memref<4000xf32, #tpu.memory_space<vmem>>)
      %dma_wait3A_239 = arith.constant 0 : i32
      %dma_wait3A_240 = tpu.memref_slice %arg37[%dma_wait3A_239] : memref<102400xf32, #tpu.memory_space<vmem_shared>> -> memref<102400xf32, #tpu.memory_space<vmem_shared>>
      tpu.wait_indirect_dma semaphore(%arg43 : memref<!tpu.dma_semaphore, #tpu.memory_space<semaphore_mem>>) src(%dma_wait3A_240 : memref<102400xf32, #tpu.memory_space<vmem_shared>>) dst(%arg33 : memref<4000xf32, #tpu.memory_space<vmem>>)
      %dma_wait3A_241 = arith.constant 0 : i32
      %dma_wait3A_242 = tpu.memref_slice %arg38[%dma_wait3A_241] : memref<102400xf32, #tpu.memory_space<vmem_shared>> -> memref<102400xf32, #tpu.memory_space<vmem_shared>>
      tpu.wait_indirect_dma semaphore(%arg43 : memref<!tpu.dma_semaphore, #tpu.memory_space<semaphore_mem>>) src(%dma_wait3A_242 : memref<102400xf32, #tpu.memory_space<vmem_shared>>) dst(%arg34 : memref<4000xf32, #tpu.memory_space<vmem>>)
      %dma_start3A_243 = arith.constant 0 : i32
      %dma_start3A_244 = tpu.memref_slice %arg36[%dma_start3A_243] : memref<102400xf32, #tpu.memory_space<vmem_shared>> -> memref<102400xf32, #tpu.memory_space<vmem_shared>>
      tpu.enqueue_indirect_dma source(%dma_start3A_244 : memref<102400xf32, #tpu.memory_space<vmem_shared>>) target(%arg17 : memref<4000xf32, #tpu.memory_space<vmem>>) offsets(%arg12 : memref<4000xi32, #tpu.memory_space<vmem>>) semaphore(%arg42 : memref<!tpu.dma_semaphore, #tpu.memory_space<semaphore_mem>>)
      %dma_start3A_245 = arith.constant 0 : i32
      %dma_start3A_246 = tpu.memref_slice %arg37[%dma_start3A_245] : memref<102400xf32, #tpu.memory_space<vmem_shared>> -> memref<102400xf32, #tpu.memory_space<vmem_shared>>
      tpu.enqueue_indirect_dma source(%dma_start3A_246 : memref<102400xf32, #tpu.memory_space<vmem_shared>>) target(%arg18 : memref<4000xf32, #tpu.memory_space<vmem>>) offsets(%arg12 : memref<4000xi32, #tpu.memory_space<vmem>>) semaphore(%arg42 : memref<!tpu.dma_semaphore, #tpu.memory_space<semaphore_mem>>)
      %dma_start3A_247 = arith.constant 0 : i32
      %dma_start3A_248 = tpu.memref_slice %arg38[%dma_start3A_247] : memref<102400xf32, #tpu.memory_space<vmem_shared>> -> memref<102400xf32, #tpu.memory_space<vmem_shared>>
      tpu.enqueue_indirect_dma source(%dma_start3A_248 : memref<102400xf32, #tpu.memory_space<vmem_shared>>) target(%arg19 : memref<4000xf32, #tpu.memory_space<vmem>>) offsets(%arg12 : memref<4000xi32, #tpu.memory_space<vmem>>) semaphore(%arg42 : memref<!tpu.dma_semaphore, #tpu.memory_space<semaphore_mem>>)
      %dma_start3A_249 = arith.constant 0 : i32
      %dma_start3A_250 = tpu.memref_slice %arg36[%dma_start3A_249] : memref<102400xf32, #tpu.memory_space<vmem_shared>> -> memref<102400xf32, #tpu.memory_space<vmem_shared>>
      tpu.enqueue_indirect_dma source(%dma_start3A_250 : memref<102400xf32, #tpu.memory_space<vmem_shared>>) target(%arg20 : memref<4000xf32, #tpu.memory_space<vmem>>) offsets(%arg13 : memref<4000xi32, #tpu.memory_space<vmem>>) semaphore(%arg42 : memref<!tpu.dma_semaphore, #tpu.memory_space<semaphore_mem>>)
      %dma_start3A_251 = arith.constant 0 : i32
      %dma_start3A_252 = tpu.memref_slice %arg37[%dma_start3A_251] : memref<102400xf32, #tpu.memory_space<vmem_shared>> -> memref<102400xf32, #tpu.memory_space<vmem_shared>>
      tpu.enqueue_indirect_dma source(%dma_start3A_252 : memref<102400xf32, #tpu.memory_space<vmem_shared>>) target(%arg21 : memref<4000xf32, #tpu.memory_space<vmem>>) offsets(%arg13 : memref<4000xi32, #tpu.memory_space<vmem>>) semaphore(%arg42 : memref<!tpu.dma_semaphore, #tpu.memory_space<semaphore_mem>>)
      %dma_start3A_253 = arith.constant 0 : i32
      %dma_start3A_254 = tpu.memref_slice %arg38[%dma_start3A_253] : memref<102400xf32, #tpu.memory_space<vmem_shared>> -> memref<102400xf32, #tpu.memory_space<vmem_shared>>
      tpu.enqueue_indirect_dma source(%dma_start3A_254 : memref<102400xf32, #tpu.memory_space<vmem_shared>>) target(%arg22 : memref<4000xf32, #tpu.memory_space<vmem>>) offsets(%arg13 : memref<4000xi32, #tpu.memory_space<vmem>>) semaphore(%arg42 : memref<!tpu.dma_semaphore, #tpu.memory_space<semaphore_mem>>)
      %scan3A_255 = arith.constant 0 : i32
      %scan3A_256 = arith.constant 0 : i32
      %scan3A_257 = arith.constant 250 : i32
      %scan3A_258 = arith.addi %scan3A_256, %scan3A_257 : i32
      %scan3A_259 = arith.constant 1 : i32
      scf.for %scan3A_279 = %scan3A_256 to %scan3A_258 step %scan3A_259  : i32 {
        %mul3A_280 = arith.constant 16 : i32
        %mul3A_281 = arith.muli %scan3A_279, %mul3A_280 : i32
        %get3A = arith.index_cast %mul3A_281 : i32 to index
        %get3A_282 = tpu.vector_load %arg32[%get3A] {strides = array<i32>} : memref<4000xf32, #tpu.memory_space<vmem>>, vector<16xf32>,
        %get3A_283 = vector.shape_cast %get3A_282 : vector<16xf32> to vector<16xf32>
        %get3A_284 = arith.index_cast %mul3A_281 : i32 to index
        %get3A_285 = tpu.vector_load %arg29[%get3A_284] {strides = array<i32>} : memref<4000xf32, #tpu.memory_space<vmem>>, vector<16xf32>,
        %get3A_286 = vector.shape_cast %get3A_285 : vector<16xf32> to vector<16xf32>
        %sub3A = arith.subf %get3A_283, %get3A_286 : vector<16xf32>
        %get3A_287 = arith.index_cast %mul3A_281 : i32 to index
        %get3A_288 = tpu.vector_load %arg26[%get3A_287] {strides = array<i32>} : memref<4000xf32, #tpu.memory_space<vmem>>, vector<16xf32>,
        %get3A_289 = vector.shape_cast %get3A_288 : vector<16xf32> to vector<16xf32>
        %add3A_290 = arith.addf %sub3A, %get3A_289 : vector<16xf32>
        %get3A_291 = arith.index_cast %mul3A_281 : i32 to index
        %get3A_292 = tpu.vector_load %arg33[%get3A_291] {strides = array<i32>} : memref<4000xf32, #tpu.memory_space<vmem>>, vector<16xf32>,
        %get3A_293 = vector.shape_cast %get3A_292 : vector<16xf32> to vector<16xf32>
        %get3A_294 = arith.index_cast %mul3A_281 : i32 to index
        %get3A_295 = tpu.vector_load %arg30[%get3A_294] {strides = array<i32>} : memref<4000xf32, #tpu.memory_space<vmem>>, vector<16xf32>,
        %get3A_296 = vector.shape_cast %get3A_295 : vector<16xf32> to vector<16xf32>
        %sub3A_297 = arith.subf %get3A_293, %get3A_296 : vector<16xf32>
        %get3A_298 = arith.index_cast %mul3A_281 : i32 to index
        %get3A_299 = tpu.vector_load %arg27[%get3A_298] {strides = array<i32>} : memref<4000xf32, #tpu.memory_space<vmem>>, vector<16xf32>,
        %get3A_300 = vector.shape_cast %get3A_299 : vector<16xf32> to vector<16xf32>
        %add3A_301 = arith.addf %sub3A_297, %get3A_300 : vector<16xf32>
        %get3A_302 = arith.index_cast %mul3A_281 : i32 to index
        %get3A_303 = tpu.vector_load %arg34[%get3A_302] {strides = array<i32>} : memref<4000xf32, #tpu.memory_space<vmem>>, vector<16xf32>,
        %get3A_304 = vector.shape_cast %get3A_303 : vector<16xf32> to vector<16xf32>
        %get3A_305 = arith.index_cast %mul3A_281 : i32 to index
        %get3A_306 = tpu.vector_load %arg31[%get3A_305] {strides = array<i32>} : memref<4000xf32, #tpu.memory_space<vmem>>, vector<16xf32>,
        %get3A_307 = vector.shape_cast %get3A_306 : vector<16xf32> to vector<16xf32>
        %sub3A_308 = arith.subf %get3A_304, %get3A_307 : vector<16xf32>
        %get3A_309 = arith.index_cast %mul3A_281 : i32 to index
        %get3A_310 = tpu.vector_load %arg28[%get3A_309] {strides = array<i32>} : memref<4000xf32, #tpu.memory_space<vmem>>, vector<16xf32>,
        %get3A_311 = vector.shape_cast %get3A_310 : vector<16xf32> to vector<16xf32>
        %add3A_312 = arith.addf %sub3A_308, %get3A_311 : vector<16xf32>
        %mul3A_313 = arith.mulf %add3A_290, %add3A_290 : vector<16xf32>
        %mul3A_314 = arith.mulf %add3A_301, %add3A_301 : vector<16xf32>
        %add3A_315 = arith.addf %mul3A_313, %mul3A_314 : vector<16xf32>
        %mul3A_316 = arith.mulf %add3A_312, %add3A_312 : vector<16xf32>
        %add3A_317 = arith.addf %add3A_315, %mul3A_316 : vector<16xf32>
        %bitcast_convert_type3A = tpu.bitcast %add3A_317 : vector<16xf32> -> vector<16xi32>
        %shift_right_logical3A = arith.constant 1 : i32
        %shift_right_logical3A_318 = vector.broadcast %shift_right_logical3A : i32 to vector<16xi32>
        %shift_right_logical3A_319 = arith.shrui %bitcast_convert_type3A, %shift_right_logical3A_318 : vector<16xi32>
        %sub3A_320 = arith.constant 1597463007 : i32
        %sub3A_321 = vector.broadcast %sub3A_320 : i32 to vector<16xi32>
        %sub3A_322 = arith.subi %sub3A_321, %shift_right_logical3A_319 : vector<16xi32>
        %bitcast_convert_type3A_323 = tpu.bitcast %sub3A_322 : vector<16xi32> -> vector<16xf32>
        %mul3A_324 = arith.constant 5.000000e-01 : f32
        %mul3A_325 = vector.broadcast %mul3A_324 : f32 to vector<16xf32>
        %mul3A_326 = arith.mulf %mul3A_325, %add3A_317 : vector<16xf32>
        %mul3A_327 = arith.mulf %mul3A_326, %bitcast_convert_type3A_323 : vector<16xf32>
        %mul3A_328 = arith.mulf %mul3A_327, %bitcast_convert_type3A_323 : vector<16xf32>
        %sub3A_329 = arith.constant 1.500000e+00 : f32
        %sub3A_330 = vector.broadcast %sub3A_329 : f32 to vector<16xf32>
        %sub3A_331 = arith.subf %sub3A_330, %mul3A_328 : vector<16xf32>
        %mul3A_332 = arith.mulf %bitcast_convert_type3A_323, %sub3A_331 : vector<16xf32>
        %mul3A_333 = arith.mulf %mul3A_326, %mul3A_332 : vector<16xf32>
        %mul3A_334 = arith.mulf %mul3A_333, %mul3A_332 : vector<16xf32>
        %sub3A_335 = arith.constant 1.500000e+00 : f32
        %sub3A_336 = vector.broadcast %sub3A_335 : f32 to vector<16xf32>
        %sub3A_337 = arith.subf %sub3A_336, %mul3A_334 : vector<16xf32>
        %mul3A_338 = arith.mulf %mul3A_332, %sub3A_337 : vector<16xf32>
        %mul3A_339 = arith.mulf %mul3A_326, %mul3A_338 : vector<16xf32>
        %mul3A_340 = arith.mulf %mul3A_339, %mul3A_338 : vector<16xf32>
        %sub3A_341 = arith.constant 1.500000e+00 : f32
        %sub3A_342 = vector.broadcast %sub3A_341 : f32 to vector<16xf32>
        %sub3A_343 = arith.subf %sub3A_342, %mul3A_340 : vector<16xf32>
        %mul3A_344 = arith.mulf %mul3A_338, %sub3A_343 : vector<16xf32>
        %mul3A_345 = arith.mulf %add3A_317, %mul3A_344 : vector<16xf32>
        %mul3A_346 = arith.constant -2.000000e+00 : f32
        %mul3A_347 = vector.broadcast %mul3A_346 : f32 to vector<16xf32>
        %mul3A_348 = arith.mulf %mul3A_347, %mul3A_345 : vector<16xf32>
        %exp3A = math.exp %mul3A_348 : vector<16xf32>
        %swap3A = arith.index_cast %mul3A_281 : i32 to index
        %swap3A_349 = tpu.vector_load %arg35[%swap3A] {strides = array<i32>} : memref<4000xf32, #tpu.memory_space<vmem>>, vector<16xf32>,
        %swap3A_350 = vector.shape_cast %swap3A_349 : vector<16xf32> to vector<16xf32>
        %swap3A_351 = vector.shape_cast %exp3A : vector<16xf32> to vector<16xf32>
        tpu.vector_store %arg35[%swap3A], %swap3A_351 {strides = array<i32>} : memref<4000xf32, #tpu.memory_space<vmem>>, vector<16xf32>,
      }
      %scan3A_260 = arith.constant 250 : i32
      "tpu.region"() ({
        %run_scoped3A = tpu.sem_alloc : memref<!tpu.dma_semaphore, #tpu.memory_space<semaphore_mem>>
        %dma_start3A_279 = arith.constant 0 : i32
        %dma_start3A_280 = tpu.memref_slice %arg39[%dma_start3A_279] : memref<102400xf32, #tpu.memory_space<vmem_shared>> -> memref<102400xf32, #tpu.memory_space<vmem_shared>>
        tpu.enqueue_indirect_dma source(%arg35 : memref<4000xf32, #tpu.memory_space<vmem>>) target(%dma_start3A_280 : memref<102400xf32, #tpu.memory_space<vmem_shared>>) offsets(%arg25 : memref<4000xi32, #tpu.memory_space<vmem>>) semaphore(%run_scoped3A : memref<!tpu.dma_semaphore, #tpu.memory_space<semaphore_mem>>) {add = true}
        %dma_wait3A_281 = arith.constant 0 : i32
        %dma_wait3A_282 = tpu.memref_slice %arg39[%dma_wait3A_281] : memref<102400xf32, #tpu.memory_space<vmem_shared>> -> memref<102400xf32, #tpu.memory_space<vmem_shared>>
        tpu.wait_indirect_dma semaphore(%run_scoped3A : memref<!tpu.dma_semaphore, #tpu.memory_space<semaphore_mem>>) src(%arg35 : memref<4000xf32, #tpu.memory_space<vmem>>) dst(%dma_wait3A_282 : memref<102400xf32, #tpu.memory_space<vmem_shared>>)
        tpu.yield
      }) : () -> ()
      %add3A_261 = arith.constant 2 : i32
      %add3A_262 = arith.addi %add3A_210, %add3A_261 : i32
      %mul3A_263 = arith.constant 4000 : i32
      %mul3A_264 = arith.muli %add3A_262, %mul3A_263 : i32
      %add3A_265 = arith.addi %mul3A_4, %mul3A_264 : i32
      %multiple_of3A_266 = tpu.assume_multiple %add3A_265, 4000 : i32
      %dma_start3A_267 = tpu.memref_slice %arg5[%multiple_of3A_266] : memref<6400000xi32, #tpu.memory_space<hbm>> -> memref<4000xi32, #tpu.memory_space<hbm>>
      %dma_start3A_268 = tpu.memref_slice %arg5[%multiple_of3A_266] : memref<6400000xi32, #tpu.memory_space<hbm>> -> memref<4000xi32, #tpu.memory_space<hbm>>
      tpu.enqueue_dma source(%dma_start3A_268 : memref<4000xi32, #tpu.memory_space<hbm>>) target(%arg24 : memref<4000xi32, #tpu.memory_space<vmem>>) target_semaphore(%arg41 : memref<!tpu.dma_semaphore, #tpu.memory_space<semaphore_mem>>)
      %dma_start3A_269 = tpu.memref_slice %arg6[%multiple_of3A_266] : memref<6400000xi32, #tpu.memory_space<hbm>> -> memref<4000xi32, #tpu.memory_space<hbm>>
      %dma_start3A_270 = tpu.memref_slice %arg6[%multiple_of3A_266] : memref<6400000xi32, #tpu.memory_space<hbm>> -> memref<4000xi32, #tpu.memory_space<hbm>>
      tpu.enqueue_dma source(%dma_start3A_270 : memref<4000xi32, #tpu.memory_space<hbm>>) target(%arg25 : memref<4000xi32, #tpu.memory_space<vmem>>) target_semaphore(%arg41 : memref<!tpu.dma_semaphore, #tpu.memory_space<semaphore_mem>>)
      %dma_start3A_271 = tpu.memref_slice %arg7[%multiple_of3A_266] : memref<6400000xf32, #tpu.memory_space<hbm>> -> memref<4000xf32, #tpu.memory_space<hbm>>
      %dma_start3A_272 = tpu.memref_slice %arg7[%multiple_of3A_266] : memref<6400000xf32, #tpu.memory_space<hbm>> -> memref<4000xf32, #tpu.memory_space<hbm>>
      tpu.enqueue_dma source(%dma_start3A_272 : memref<4000xf32, #tpu.memory_space<hbm>>) target(%arg26 : memref<4000xf32, #tpu.memory_space<vmem>>) target_semaphore(%arg41 : memref<!tpu.dma_semaphore, #tpu.memory_space<semaphore_mem>>)
      %dma_start3A_273 = tpu.memref_slice %arg8[%multiple_of3A_266] : memref<6400000xf32, #tpu.memory_space<hbm>> -> memref<4000xf32, #tpu.memory_space<hbm>>
      %dma_start3A_274 = tpu.memref_slice %arg8[%multiple_of3A_266] : memref<6400000xf32, #tpu.memory_space<hbm>> -> memref<4000xf32, #tpu.memory_space<hbm>>
      tpu.enqueue_dma source(%dma_start3A_274 : memref<4000xf32, #tpu.memory_space<hbm>>) target(%arg27 : memref<4000xf32, #tpu.memory_space<vmem>>) target_semaphore(%arg41 : memref<!tpu.dma_semaphore, #tpu.memory_space<semaphore_mem>>)
      %dma_start3A_275 = tpu.memref_slice %arg9[%multiple_of3A_266] : memref<6400000xf32, #tpu.memory_space<hbm>> -> memref<4000xf32, #tpu.memory_space<hbm>>
      %dma_start3A_276 = tpu.memref_slice %arg9[%multiple_of3A_266] : memref<6400000xf32, #tpu.memory_space<hbm>> -> memref<4000xf32, #tpu.memory_space<hbm>>
      tpu.enqueue_dma source(%dma_start3A_276 : memref<4000xf32, #tpu.memory_space<hbm>>) target(%arg28 : memref<4000xf32, #tpu.memory_space<vmem>>) target_semaphore(%arg41 : memref<!tpu.dma_semaphore, #tpu.memory_space<semaphore_mem>>)
      %add3A_277 = arith.constant 1 : i32
      %add3A_278 = arith.addi %add3A_210, %add3A_277 : i32
    }
    %scan3A_64 = arith.constant 24 : i32
    %dma_wait3A_65 = arith.constant 0 : i32
    %dma_wait3A_66 = tpu.memref_slice %arg5[%dma_wait3A_65] : memref<6400000xi32, #tpu.memory_space<hbm>> -> memref<4000xi32, #tpu.memory_space<hbm>>
    %dma_wait3A_67 = arith.constant 0 : i32
    %dma_wait3A_68 = tpu.memref_slice %arg5[%dma_wait3A_67] : memref<6400000xi32, #tpu.memory_space<hbm>> -> memref<4000xi32, #tpu.memory_space<hbm>>
    tpu.wait_dma2 semaphore(%arg41 : memref<!tpu.dma_semaphore, #tpu.memory_space<semaphore_mem>>) src(%dma_wait3A_68 : memref<4000xi32, #tpu.memory_space<hbm>>) dst(%arg24 : memref<4000xi32, #tpu.memory_space<vmem>>)
    %dma_wait3A_69 = arith.constant 0 : i32
    %dma_wait3A_70 = tpu.memref_slice %arg6[%dma_wait3A_69] : memref<6400000xi32, #tpu.memory_space<hbm>> -> memref<4000xi32, #tpu.memory_space<hbm>>
    %dma_wait3A_71 = arith.constant 0 : i32
    %dma_wait3A_72 = tpu.memref_slice %arg6[%dma_wait3A_71] : memref<6400000xi32, #tpu.memory_space<hbm>> -> memref<4000xi32, #tpu.memory_space<hbm>>
    tpu.wait_dma2 semaphore(%arg41 : memref<!tpu.dma_semaphore, #tpu.memory_space<semaphore_mem>>) src(%dma_wait3A_72 : memref<4000xi32, #tpu.memory_space<hbm>>) dst(%arg25 : memref<4000xi32, #tpu.memory_space<vmem>>)
    %dma_wait3A_73 = arith.constant 0 : i32
    %dma_wait3A_74 = tpu.memref_slice %arg7[%dma_wait3A_73] : memref<6400000xf32, #tpu.memory_space<hbm>> -> memref<4000xf32, #tpu.memory_space<hbm>>
    %dma_wait3A_75 = arith.constant 0 : i32
    %dma_wait3A_76 = tpu.memref_slice %arg7[%dma_wait3A_75] : memref<6400000xf32, #tpu.memory_space<hbm>> -> memref<4000xf32, #tpu.memory_space<hbm>>
    tpu.wait_dma2 semaphore(%arg41 : memref<!tpu.dma_semaphore, #tpu.memory_space<semaphore_mem>>) src(%dma_wait3A_76 : memref<4000xf32, #tpu.memory_space<hbm>>) dst(%arg26 : memref<4000xf32, #tpu.memory_space<vmem>>)
    %dma_wait3A_77 = arith.constant 0 : i32
    %dma_wait3A_78 = tpu.memref_slice %arg8[%dma_wait3A_77] : memref<6400000xf32, #tpu.memory_space<hbm>> -> memref<4000xf32, #tpu.memory_space<hbm>>
    %dma_wait3A_79 = arith.constant 0 : i32
    %dma_wait3A_80 = tpu.memref_slice %arg8[%dma_wait3A_79] : memref<6400000xf32, #tpu.memory_space<hbm>> -> memref<4000xf32, #tpu.memory_space<hbm>>
    tpu.wait_dma2 semaphore(%arg41 : memref<!tpu.dma_semaphore, #tpu.memory_space<semaphore_mem>>) src(%dma_wait3A_80 : memref<4000xf32, #tpu.memory_space<hbm>>) dst(%arg27 : memref<4000xf32, #tpu.memory_space<vmem>>)
    %dma_wait3A_81 = arith.constant 0 : i32
    %dma_wait3A_82 = tpu.memref_slice %arg9[%dma_wait3A_81] : memref<6400000xf32, #tpu.memory_space<hbm>> -> memref<4000xf32, #tpu.memory_space<hbm>>
    %dma_wait3A_83 = arith.constant 0 : i32
    %dma_wait3A_84 = tpu.memref_slice %arg9[%dma_wait3A_83] : memref<6400000xf32, #tpu.memory_space<hbm>> -> memref<4000xf32, #tpu.memory_space<hbm>>
    tpu.wait_dma2 semaphore(%arg41 : memref<!tpu.dma_semaphore, #tpu.memory_space<semaphore_mem>>) src(%dma_wait3A_84 : memref<4000xf32, #tpu.memory_space<hbm>>) dst(%arg28 : memref<4000xf32, #tpu.memory_space<vmem>>)
    %dma_wait3A_85 = arith.constant 0 : i32
    %dma_wait3A_86 = tpu.memref_slice %arg36[%dma_wait3A_85] : memref<102400xf32, #tpu.memory_space<vmem_shared>> -> memref<102400xf32, #tpu.memory_space<vmem_shared>>
    tpu.wait_indirect_dma semaphore(%arg42 : memref<!tpu.dma_semaphore, #tpu.memory_space<semaphore_mem>>) src(%dma_wait3A_86 : memref<102400xf32, #tpu.memory_space<vmem_shared>>) dst(%arg17 : memref<4000xf32, #tpu.memory_space<vmem>>)
    %dma_wait3A_87 = arith.constant 0 : i32
    %dma_wait3A_88 = tpu.memref_slice %arg37[%dma_wait3A_87] : memref<102400xf32, #tpu.memory_space<vmem_shared>> -> memref<102400xf32, #tpu.memory_space<vmem_shared>>
    tpu.wait_indirect_dma semaphore(%arg42 : memref<!tpu.dma_semaphore, #tpu.memory_space<semaphore_mem>>) src(%dma_wait3A_88 : memref<102400xf32, #tpu.memory_space<vmem_shared>>) dst(%arg18 : memref<4000xf32, #tpu.memory_space<vmem>>)
    %dma_wait3A_89 = arith.constant 0 : i32
    %dma_wait3A_90 = tpu.memref_slice %arg38[%dma_wait3A_89] : memref<102400xf32, #tpu.memory_space<vmem_shared>> -> memref<102400xf32, #tpu.memory_space<vmem_shared>>
    tpu.wait_indirect_dma semaphore(%arg42 : memref<!tpu.dma_semaphore, #tpu.memory_space<semaphore_mem>>) src(%dma_wait3A_90 : memref<102400xf32, #tpu.memory_space<vmem_shared>>) dst(%arg19 : memref<4000xf32, #tpu.memory_space<vmem>>)
    %dma_wait3A_91 = arith.constant 0 : i32
    %dma_wait3A_92 = tpu.memref_slice %arg36[%dma_wait3A_91] : memref<102400xf32, #tpu.memory_space<vmem_shared>> -> memref<102400xf32, #tpu.memory_space<vmem_shared>>
    tpu.wait_indirect_dma semaphore(%arg42 : memref<!tpu.dma_semaphore, #tpu.memory_space<semaphore_mem>>) src(%dma_wait3A_92 : memref<102400xf32, #tpu.memory_space<vmem_shared>>) dst(%arg20 : memref<4000xf32, #tpu.memory_space<vmem>>)
    %dma_wait3A_93 = arith.constant 0 : i32
    %dma_wait3A_94 = tpu.memref_slice %arg37[%dma_wait3A_93] : memref<102400xf32, #tpu.memory_space<vmem_shared>> -> memref<102400xf32, #tpu.memory_space<vmem_shared>>
    tpu.wait_indirect_dma semaphore(%arg42 : memref<!tpu.dma_semaphore, #tpu.memory_space<semaphore_mem>>) src(%dma_wait3A_94 : memref<102400xf32, #tpu.memory_space<vmem_shared>>) dst(%arg21 : memref<4000xf32, #tpu.memory_space<vmem>>)
    %dma_wait3A_95 = arith.constant 0 : i32
    %dma_wait3A_96 = tpu.memref_slice %arg38[%dma_wait3A_95] : memref<102400xf32, #tpu.memory_space<vmem_shared>> -> memref<102400xf32, #tpu.memory_space<vmem_shared>>
    tpu.wait_indirect_dma semaphore(%arg42 : memref<!tpu.dma_semaphore, #tpu.memory_space<semaphore_mem>>) src(%dma_wait3A_96 : memref<102400xf32, #tpu.memory_space<vmem_shared>>) dst(%arg22 : memref<4000xf32, #tpu.memory_space<vmem>>)
    %dma_start3A_97 = arith.constant 0 : i32
    %dma_start3A_98 = tpu.memref_slice %arg36[%dma_start3A_97] : memref<102400xf32, #tpu.memory_space<vmem_shared>> -> memref<102400xf32, #tpu.memory_space<vmem_shared>>
    tpu.enqueue_indirect_dma source(%dma_start3A_98 : memref<102400xf32, #tpu.memory_space<vmem_shared>>) target(%arg29 : memref<4000xf32, #tpu.memory_space<vmem>>) offsets(%arg24 : memref<4000xi32, #tpu.memory_space<vmem>>) semaphore(%arg43 : memref<!tpu.dma_semaphore, #tpu.memory_space<semaphore_mem>>)
    %dma_start3A_99 = arith.constant 0 : i32
    %dma_start3A_100 = tpu.memref_slice %arg37[%dma_start3A_99] : memref<102400xf32, #tpu.memory_space<vmem_shared>> -> memref<102400xf32, #tpu.memory_space<vmem_shared>>
    tpu.enqueue_indirect_dma source(%dma_start3A_100 : memref<102400xf32, #tpu.memory_space<vmem_shared>>) target(%arg30 : memref<4000xf32, #tpu.memory_space<vmem>>) offsets(%arg24 : memref<4000xi32, #tpu.memory_space<vmem>>) semaphore(%arg43 : memref<!tpu.dma_semaphore, #tpu.memory_space<semaphore_mem>>)
    %dma_start3A_101 = arith.constant 0 : i32
    %dma_start3A_102 = tpu.memref_slice %arg38[%dma_start3A_101] : memref<102400xf32, #tpu.memory_space<vmem_shared>> -> memref<102400xf32, #tpu.memory_space<vmem_shared>>
    tpu.enqueue_indirect_dma source(%dma_start3A_102 : memref<102400xf32, #tpu.memory_space<vmem_shared>>) target(%arg31 : memref<4000xf32, #tpu.memory_space<vmem>>) offsets(%arg24 : memref<4000xi32, #tpu.memory_space<vmem>>) semaphore(%arg43 : memref<!tpu.dma_semaphore, #tpu.memory_space<semaphore_mem>>)
    %dma_start3A_103 = arith.constant 0 : i32
    %dma_start3A_104 = tpu.memref_slice %arg36[%dma_start3A_103] : memref<102400xf32, #tpu.memory_space<vmem_shared>> -> memref<102400xf32, #tpu.memory_space<vmem_shared>>
    tpu.enqueue_indirect_dma source(%dma_start3A_104 : memref<102400xf32, #tpu.memory_space<vmem_shared>>) target(%arg32 : memref<4000xf32, #tpu.memory_space<vmem>>) offsets(%arg25 : memref<4000xi32, #tpu.memory_space<vmem>>) semaphore(%arg43 : memref<!tpu.dma_semaphore, #tpu.memory_space<semaphore_mem>>)
    %dma_start3A_105 = arith.constant 0 : i32
    %dma_start3A_106 = tpu.memref_slice %arg37[%dma_start3A_105] : memref<102400xf32, #tpu.memory_space<vmem_shared>> -> memref<102400xf32, #tpu.memory_space<vmem_shared>>
    tpu.enqueue_indirect_dma source(%dma_start3A_106 : memref<102400xf32, #tpu.memory_space<vmem_shared>>) target(%arg33 : memref<4000xf32, #tpu.memory_space<vmem>>) offsets(%arg25 : memref<4000xi32, #tpu.memory_space<vmem>>) semaphore(%arg43 : memref<!tpu.dma_semaphore, #tpu.memory_space<semaphore_mem>>)
    %dma_start3A_107 = arith.constant 0 : i32
    %dma_start3A_108 = tpu.memref_slice %arg38[%dma_start3A_107] : memref<102400xf32, #tpu.memory_space<vmem_shared>> -> memref<102400xf32, #tpu.memory_space<vmem_shared>>
    tpu.enqueue_indirect_dma source(%dma_start3A_108 : memref<102400xf32, #tpu.memory_space<vmem_shared>>) target(%arg34 : memref<4000xf32, #tpu.memory_space<vmem>>) offsets(%arg25 : memref<4000xi32, #tpu.memory_space<vmem>>) semaphore(%arg43 : memref<!tpu.dma_semaphore, #tpu.memory_space<semaphore_mem>>)
    %scan3A_109 = arith.constant 0 : i32
    %scan3A_110 = arith.constant 0 : i32
    %scan3A_111 = arith.constant 250 : i32
    %scan3A_112 = arith.addi %scan3A_110, %scan3A_111 : i32
    %scan3A_113 = arith.constant 1 : i32
    scf.for %scan3A_140 = %scan3A_110 to %scan3A_112 step %scan3A_113  : i32 {
      %mul3A_141 = arith.constant 16 : i32
      %mul3A_142 = arith.muli %scan3A_140, %mul3A_141 : i32
      %get3A = arith.index_cast %mul3A_142 : i32 to index
      %get3A_143 = tpu.vector_load %arg20[%get3A] {strides = array<i32>} : memref<4000xf32, #tpu.memory_space<vmem>>, vector<16xf32>,
      %get3A_144 = vector.shape_cast %get3A_143 : vector<16xf32> to vector<16xf32>
      %get3A_145 = arith.index_cast %mul3A_142 : i32 to index
      %get3A_146 = tpu.vector_load %arg17[%get3A_145] {strides = array<i32>} : memref<4000xf32, #tpu.memory_space<vmem>>, vector<16xf32>,
      %get3A_147 = vector.shape_cast %get3A_146 : vector<16xf32> to vector<16xf32>
      %sub3A = arith.subf %get3A_144, %get3A_147 : vector<16xf32>
      %get3A_148 = arith.index_cast %mul3A_142 : i32 to index
      %get3A_149 = tpu.vector_load %arg14[%get3A_148] {strides = array<i32>} : memref<4000xf32, #tpu.memory_space<vmem>>, vector<16xf32>,
      %get3A_150 = vector.shape_cast %get3A_149 : vector<16xf32> to vector<16xf32>
      %add3A_151 = arith.addf %sub3A, %get3A_150 : vector<16xf32>
      %get3A_152 = arith.index_cast %mul3A_142 : i32 to index
      %get3A_153 = tpu.vector_load %arg21[%get3A_152] {strides = array<i32>} : memref<4000xf32, #tpu.memory_space<vmem>>, vector<16xf32>,
      %get3A_154 = vector.shape_cast %get3A_153 : vector<16xf32> to vector<16xf32>
      %get3A_155 = arith.index_cast %mul3A_142 : i32 to index
      %get3A_156 = tpu.vector_load %arg18[%get3A_155] {strides = array<i32>} : memref<4000xf32, #tpu.memory_space<vmem>>, vector<16xf32>,
      %get3A_157 = vector.shape_cast %get3A_156 : vector<16xf32> to vector<16xf32>
      %sub3A_158 = arith.subf %get3A_154, %get3A_157 : vector<16xf32>
      %get3A_159 = arith.index_cast %mul3A_142 : i32 to index
      %get3A_160 = tpu.vector_load %arg15[%get3A_159] {strides = array<i32>} : memref<4000xf32, #tpu.memory_space<vmem>>, vector<16xf32>,
      %get3A_161 = vector.shape_cast %get3A_160 : vector<16xf32> to vector<16xf32>
      %add3A_162 = arith.addf %sub3A_158, %get3A_161 : vector<16xf32>
      %get3A_163 = arith.index_cast %mul3A_142 : i32 to index
      %get3A_164 = tpu.vector_load %arg22[%get3A_163] {strides = array<i32>} : memref<4000xf32, #tpu.memory_space<vmem>>, vector<16xf32>,
      %get3A_165 = vector.shape_cast %get3A_164 : vector<16xf32> to vector<16xf32>
      %get3A_166 = arith.index_cast %mul3A_142 : i32 to index
      %get3A_167 = tpu.vector_load %arg19[%get3A_166] {strides = array<i32>} : memref<4000xf32, #tpu.memory_space<vmem>>, vector<16xf32>,
      %get3A_168 = vector.shape_cast %get3A_167 : vector<16xf32> to vector<16xf32>
      %sub3A_169 = arith.subf %get3A_165, %get3A_168 : vector<16xf32>
      %get3A_170 = arith.index_cast %mul3A_142 : i32 to index
      %get3A_171 = tpu.vector_load %arg16[%get3A_170] {strides = array<i32>} : memref<4000xf32, #tpu.memory_space<vmem>>, vector<16xf32>,
      %get3A_172 = vector.shape_cast %get3A_171 : vector<16xf32> to vector<16xf32>
      %add3A_173 = arith.addf %sub3A_169, %get3A_172 : vector<16xf32>
      %mul3A_174 = arith.mulf %add3A_151, %add3A_151 : vector<16xf32>
      %mul3A_175 = arith.mulf %add3A_162, %add3A_162 : vector<16xf32>
      %add3A_176 = arith.addf %mul3A_174, %mul3A_175 : vector<16xf32>
      %mul3A_177 = arith.mulf %add3A_173, %add3A_173 : vector<16xf32>
      %add3A_178 = arith.addf %add3A_176, %mul3A_177 : vector<16xf32>
      %bitcast_convert_type3A = tpu.bitcast %add3A_178 : vector<16xf32> -> vector<16xi32>
      %shift_right_logical3A = arith.constant 1 : i32
      %shift_right_logical3A_179 = vector.broadcast %shift_right_logical3A : i32 to vector<16xi32>
      %shift_right_logical3A_180 = arith.shrui %bitcast_convert_type3A, %shift_right_logical3A_179 : vector<16xi32>
      %sub3A_181 = arith.constant 1597463007 : i32
      %sub3A_182 = vector.broadcast %sub3A_181 : i32 to vector<16xi32>
      %sub3A_183 = arith.subi %sub3A_182, %shift_right_logical3A_180 : vector<16xi32>
      %bitcast_convert_type3A_184 = tpu.bitcast %sub3A_183 : vector<16xi32> -> vector<16xf32>
      %mul3A_185 = arith.constant 5.000000e-01 : f32
      %mul3A_186 = vector.broadcast %mul3A_185 : f32 to vector<16xf32>
      %mul3A_187 = arith.mulf %mul3A_186, %add3A_178 : vector<16xf32>
      %mul3A_188 = arith.mulf %mul3A_187, %bitcast_convert_type3A_184 : vector<16xf32>
      %mul3A_189 = arith.mulf %mul3A_188, %bitcast_convert_type3A_184 : vector<16xf32>
      %sub3A_190 = arith.constant 1.500000e+00 : f32
      %sub3A_191 = vector.broadcast %sub3A_190 : f32 to vector<16xf32>
      %sub3A_192 = arith.subf %sub3A_191, %mul3A_189 : vector<16xf32>
      %mul3A_193 = arith.mulf %bitcast_convert_type3A_184, %sub3A_192 : vector<16xf32>
      %mul3A_194 = arith.mulf %mul3A_187, %mul3A_193 : vector<16xf32>
      %mul3A_195 = arith.mulf %mul3A_194, %mul3A_193 : vector<16xf32>
      %sub3A_196 = arith.constant 1.500000e+00 : f32
      %sub3A_197 = vector.broadcast %sub3A_196 : f32 to vector<16xf32>
      %sub3A_198 = arith.subf %sub3A_197, %mul3A_195 : vector<16xf32>
      %mul3A_199 = arith.mulf %mul3A_193, %sub3A_198 : vector<16xf32>
      %mul3A_200 = arith.mulf %mul3A_187, %mul3A_199 : vector<16xf32>
      %mul3A_201 = arith.mulf %mul3A_200, %mul3A_199 : vector<16xf32>
      %sub3A_202 = arith.constant 1.500000e+00 : f32
      %sub3A_203 = vector.broadcast %sub3A_202 : f32 to vector<16xf32>
      %sub3A_204 = arith.subf %sub3A_203, %mul3A_201 : vector<16xf32>
      %mul3A_205 = arith.mulf %mul3A_199, %sub3A_204 : vector<16xf32>
      %mul3A_206 = arith.mulf %add3A_178, %mul3A_205 : vector<16xf32>
      %mul3A_207 = arith.constant -2.000000e+00 : f32
      %mul3A_208 = vector.broadcast %mul3A_207 : f32 to vector<16xf32>
      %mul3A_209 = arith.mulf %mul3A_208, %mul3A_206 : vector<16xf32>
      %exp3A = math.exp %mul3A_209 : vector<16xf32>
      %swap3A = arith.index_cast %mul3A_142 : i32 to index
      %swap3A_210 = tpu.vector_load %arg23[%swap3A] {strides = array<i32>} : memref<4000xf32, #tpu.memory_space<vmem>>, vector<16xf32>,
      %swap3A_211 = vector.shape_cast %swap3A_210 : vector<16xf32> to vector<16xf32>
      %swap3A_212 = vector.shape_cast %exp3A : vector<16xf32> to vector<16xf32>
      tpu.vector_store %arg23[%swap3A], %swap3A_212 {strides = array<i32>} : memref<4000xf32, #tpu.memory_space<vmem>>, vector<16xf32>,
    }
    %scan3A_114 = arith.constant 250 : i32
    "tpu.region"() ({
      %run_scoped3A = tpu.sem_alloc : memref<!tpu.dma_semaphore, #tpu.memory_space<semaphore_mem>>
      %dma_start3A_140 = arith.constant 0 : i32
      %dma_start3A_141 = tpu.memref_slice %arg39[%dma_start3A_140] : memref<102400xf32, #tpu.memory_space<vmem_shared>> -> memref<102400xf32, #tpu.memory_space<vmem_shared>>
      tpu.enqueue_indirect_dma source(%arg23 : memref<4000xf32, #tpu.memory_space<vmem>>) target(%dma_start3A_141 : memref<102400xf32, #tpu.memory_space<vmem_shared>>) offsets(%arg13 : memref<4000xi32, #tpu.memory_space<vmem>>) semaphore(%run_scoped3A : memref<!tpu.dma_semaphore, #tpu.memory_space<semaphore_mem>>) {add = true}
      %dma_wait3A_142 = arith.constant 0 : i32
      %dma_wait3A_143 = tpu.memref_slice %arg39[%dma_wait3A_142] : memref<102400xf32, #tpu.memory_space<vmem_shared>> -> memref<102400xf32, #tpu.memory_space<vmem_shared>>
      tpu.wait_indirect_dma semaphore(%run_scoped3A : memref<!tpu.dma_semaphore, #tpu.memory_space<semaphore_mem>>) src(%arg23 : memref<4000xf32, #tpu.memory_space<vmem>>) dst(%dma_wait3A_143 : memref<102400xf32, #tpu.memory_space<vmem_shared>>)
      tpu.yield
    }) : () -> ()
    %dma_wait3A_115 = arith.constant 0 : i32
    %dma_wait3A_116 = tpu.memref_slice %arg36[%dma_wait3A_115] : memref<102400xf32, #tpu.memory_space<vmem_shared>> -> memref<102400xf32, #tpu.memory_space<vmem_shared>>
    tpu.wait_indirect_dma semaphore(%arg43 : memref<!tpu.dma_semaphore, #tpu.memory_space<semaphore_mem>>) src(%dma_wait3A_116 : memref<102400xf32, #tpu.memory_space<vmem_shared>>) dst(%arg29 : memref<4000xf32, #tpu.memory_space<vmem>>)
    %dma_wait3A_117 = arith.constant 0 : i32
    %dma_wait3A_118 = tpu.memref_slice %arg37[%dma_wait3A_117] : memref<102400xf32, #tpu.memory_space<vmem_shared>> -> memref<102400xf32, #tpu.memory_space<vmem_shared>>
    tpu.wait_indirect_dma semaphore(%arg43 : memref<!tpu.dma_semaphore, #tpu.memory_space<semaphore_mem>>) src(%dma_wait3A_118 : memref<102400xf32, #tpu.memory_space<vmem_shared>>) dst(%arg30 : memref<4000xf32, #tpu.memory_space<vmem>>)
    %dma_wait3A_119 = arith.constant 0 : i32
    %dma_wait3A_120 = tpu.memref_slice %arg38[%dma_wait3A_119] : memref<102400xf32, #tpu.memory_space<vmem_shared>> -> memref<102400xf32, #tpu.memory_space<vmem_shared>>
    tpu.wait_indirect_dma semaphore(%arg43 : memref<!tpu.dma_semaphore, #tpu.memory_space<semaphore_mem>>) src(%dma_wait3A_120 : memref<102400xf32, #tpu.memory_space<vmem_shared>>) dst(%arg31 : memref<4000xf32, #tpu.memory_space<vmem>>)
    %dma_wait3A_121 = arith.constant 0 : i32
    %dma_wait3A_122 = tpu.memref_slice %arg36[%dma_wait3A_121] : memref<102400xf32, #tpu.memory_space<vmem_shared>> -> memref<102400xf32, #tpu.memory_space<vmem_shared>>
    tpu.wait_indirect_dma semaphore(%arg43 : memref<!tpu.dma_semaphore, #tpu.memory_space<semaphore_mem>>) src(%dma_wait3A_122 : memref<102400xf32, #tpu.memory_space<vmem_shared>>) dst(%arg32 : memref<4000xf32, #tpu.memory_space<vmem>>)
    %dma_wait3A_123 = arith.constant 0 : i32
    %dma_wait3A_124 = tpu.memref_slice %arg37[%dma_wait3A_123] : memref<102400xf32, #tpu.memory_space<vmem_shared>> -> memref<102400xf32, #tpu.memory_space<vmem_shared>>
    tpu.wait_indirect_dma semaphore(%arg43 : memref<!tpu.dma_semaphore, #tpu.memory_space<semaphore_mem>>) src(%dma_wait3A_124 : memref<102400xf32, #tpu.memory_space<vmem_shared>>) dst(%arg33 : memref<4000xf32, #tpu.memory_space<vmem>>)
    %dma_wait3A_125 = arith.constant 0 : i32
    %dma_wait3A_126 = tpu.memref_slice %arg38[%dma_wait3A_125] : memref<102400xf32, #tpu.memory_space<vmem_shared>> -> memref<102400xf32, #tpu.memory_space<vmem_shared>>
    tpu.wait_indirect_dma semaphore(%arg43 : memref<!tpu.dma_semaphore, #tpu.memory_space<semaphore_mem>>) src(%dma_wait3A_126 : memref<102400xf32, #tpu.memory_space<vmem_shared>>) dst(%arg34 : memref<4000xf32, #tpu.memory_space<vmem>>)
    %scan3A_127 = arith.constant 0 : i32
    %scan3A_128 = arith.constant 0 : i32
    %scan3A_129 = arith.constant 250 : i32
    %scan3A_130 = arith.addi %scan3A_128, %scan3A_129 : i32
    %scan3A_131 = arith.constant 1 : i32
    scf.for %scan3A_140 = %scan3A_128 to %scan3A_130 step %scan3A_131  : i32 {
      %mul3A_141 = arith.constant 16 : i32
      %mul3A_142 = arith.muli %scan3A_140, %mul3A_141 : i32
      %get3A = arith.index_cast %mul3A_142 : i32 to index
      %get3A_143 = tpu.vector_load %arg32[%get3A] {strides = array<i32>} : memref<4000xf32, #tpu.memory_space<vmem>>, vector<16xf32>,
      %get3A_144 = vector.shape_cast %get3A_143 : vector<16xf32> to vector<16xf32>
      %get3A_145 = arith.index_cast %mul3A_142 : i32 to index
      %get3A_146 = tpu.vector_load %arg29[%get3A_145] {strides = array<i32>} : memref<4000xf32, #tpu.memory_space<vmem>>, vector<16xf32>,
      %get3A_147 = vector.shape_cast %get3A_146 : vector<16xf32> to vector<16xf32>
      %sub3A = arith.subf %get3A_144, %get3A_147 : vector<16xf32>
      %get3A_148 = arith.index_cast %mul3A_142 : i32 to index
      %get3A_149 = tpu.vector_load %arg26[%get3A_148] {strides = array<i32>} : memref<4000xf32, #tpu.memory_space<vmem>>, vector<16xf32>,
      %get3A_150 = vector.shape_cast %get3A_149 : vector<16xf32> to vector<16xf32>
      %add3A_151 = arith.addf %sub3A, %get3A_150 : vector<16xf32>
      %get3A_152 = arith.index_cast %mul3A_142 : i32 to index
      %get3A_153 = tpu.vector_load %arg33[%get3A_152] {strides = array<i32>} : memref<4000xf32, #tpu.memory_space<vmem>>, vector<16xf32>,
      %get3A_154 = vector.shape_cast %get3A_153 : vector<16xf32> to vector<16xf32>
      %get3A_155 = arith.index_cast %mul3A_142 : i32 to index
      %get3A_156 = tpu.vector_load %arg30[%get3A_155] {strides = array<i32>} : memref<4000xf32, #tpu.memory_space<vmem>>, vector<16xf32>,
      %get3A_157 = vector.shape_cast %get3A_156 : vector<16xf32> to vector<16xf32>
      %sub3A_158 = arith.subf %get3A_154, %get3A_157 : vector<16xf32>
      %get3A_159 = arith.index_cast %mul3A_142 : i32 to index
      %get3A_160 = tpu.vector_load %arg27[%get3A_159] {strides = array<i32>} : memref<4000xf32, #tpu.memory_space<vmem>>, vector<16xf32>,
      %get3A_161 = vector.shape_cast %get3A_160 : vector<16xf32> to vector<16xf32>
      %add3A_162 = arith.addf %sub3A_158, %get3A_161 : vector<16xf32>
      %get3A_163 = arith.index_cast %mul3A_142 : i32 to index
      %get3A_164 = tpu.vector_load %arg34[%get3A_163] {strides = array<i32>} : memref<4000xf32, #tpu.memory_space<vmem>>, vector<16xf32>,
      %get3A_165 = vector.shape_cast %get3A_164 : vector<16xf32> to vector<16xf32>
      %get3A_166 = arith.index_cast %mul3A_142 : i32 to index
      %get3A_167 = tpu.vector_load %arg31[%get3A_166] {strides = array<i32>} : memref<4000xf32, #tpu.memory_space<vmem>>, vector<16xf32>,
      %get3A_168 = vector.shape_cast %get3A_167 : vector<16xf32> to vector<16xf32>
      %sub3A_169 = arith.subf %get3A_165, %get3A_168 : vector<16xf32>
      %get3A_170 = arith.index_cast %mul3A_142 : i32 to index
      %get3A_171 = tpu.vector_load %arg28[%get3A_170] {strides = array<i32>} : memref<4000xf32, #tpu.memory_space<vmem>>, vector<16xf32>,
      %get3A_172 = vector.shape_cast %get3A_171 : vector<16xf32> to vector<16xf32>
      %add3A_173 = arith.addf %sub3A_169, %get3A_172 : vector<16xf32>
      %mul3A_174 = arith.mulf %add3A_151, %add3A_151 : vector<16xf32>
      %mul3A_175 = arith.mulf %add3A_162, %add3A_162 : vector<16xf32>
      %add3A_176 = arith.addf %mul3A_174, %mul3A_175 : vector<16xf32>
      %mul3A_177 = arith.mulf %add3A_173, %add3A_173 : vector<16xf32>
      %add3A_178 = arith.addf %add3A_176, %mul3A_177 : vector<16xf32>
      %bitcast_convert_type3A = tpu.bitcast %add3A_178 : vector<16xf32> -> vector<16xi32>
      %shift_right_logical3A = arith.constant 1 : i32
      %shift_right_logical3A_179 = vector.broadcast %shift_right_logical3A : i32 to vector<16xi32>
      %shift_right_logical3A_180 = arith.shrui %bitcast_convert_type3A, %shift_right_logical3A_179 : vector<16xi32>
      %sub3A_181 = arith.constant 1597463007 : i32
      %sub3A_182 = vector.broadcast %sub3A_181 : i32 to vector<16xi32>
      %sub3A_183 = arith.subi %sub3A_182, %shift_right_logical3A_180 : vector<16xi32>
      %bitcast_convert_type3A_184 = tpu.bitcast %sub3A_183 : vector<16xi32> -> vector<16xf32>
      %mul3A_185 = arith.constant 5.000000e-01 : f32
      %mul3A_186 = vector.broadcast %mul3A_185 : f32 to vector<16xf32>
      %mul3A_187 = arith.mulf %mul3A_186, %add3A_178 : vector<16xf32>
      %mul3A_188 = arith.mulf %mul3A_187, %bitcast_convert_type3A_184 : vector<16xf32>
      %mul3A_189 = arith.mulf %mul3A_188, %bitcast_convert_type3A_184 : vector<16xf32>
      %sub3A_190 = arith.constant 1.500000e+00 : f32
      %sub3A_191 = vector.broadcast %sub3A_190 : f32 to vector<16xf32>
      %sub3A_192 = arith.subf %sub3A_191, %mul3A_189 : vector<16xf32>
      %mul3A_193 = arith.mulf %bitcast_convert_type3A_184, %sub3A_192 : vector<16xf32>
      %mul3A_194 = arith.mulf %mul3A_187, %mul3A_193 : vector<16xf32>
      %mul3A_195 = arith.mulf %mul3A_194, %mul3A_193 : vector<16xf32>
      %sub3A_196 = arith.constant 1.500000e+00 : f32
      %sub3A_197 = vector.broadcast %sub3A_196 : f32 to vector<16xf32>
      %sub3A_198 = arith.subf %sub3A_197, %mul3A_195 : vector<16xf32>
      %mul3A_199 = arith.mulf %mul3A_193, %sub3A_198 : vector<16xf32>
      %mul3A_200 = arith.mulf %mul3A_187, %mul3A_199 : vector<16xf32>
      %mul3A_201 = arith.mulf %mul3A_200, %mul3A_199 : vector<16xf32>
      %sub3A_202 = arith.constant 1.500000e+00 : f32
      %sub3A_203 = vector.broadcast %sub3A_202 : f32 to vector<16xf32>
      %sub3A_204 = arith.subf %sub3A_203, %mul3A_201 : vector<16xf32>
      %mul3A_205 = arith.mulf %mul3A_199, %sub3A_204 : vector<16xf32>
      %mul3A_206 = arith.mulf %add3A_178, %mul3A_205 : vector<16xf32>
      %mul3A_207 = arith.constant -2.000000e+00 : f32
      %mul3A_208 = vector.broadcast %mul3A_207 : f32 to vector<16xf32>
      %mul3A_209 = arith.mulf %mul3A_208, %mul3A_206 : vector<16xf32>
      %exp3A = math.exp %mul3A_209 : vector<16xf32>
      %swap3A = arith.index_cast %mul3A_142 : i32 to index
      %swap3A_210 = tpu.vector_load %arg35[%swap3A] {strides = array<i32>} : memref<4000xf32, #tpu.memory_space<vmem>>, vector<16xf32>,
      %swap3A_211 = vector.shape_cast %swap3A_210 : vector<16xf32> to vector<16xf32>
      %swap3A_212 = vector.shape_cast %exp3A : vector<16xf32> to vector<16xf32>
      tpu.vector_store %arg35[%swap3A], %swap3A_212 {strides = array<i32>} : memref<4000xf32, #tpu.memory_space<vmem>>, vector<16xf32>,
    }
    %scan3A_132 = arith.constant 250 : i32
    "tpu.region"() ({
      %run_scoped3A = tpu.sem_alloc : memref<!tpu.dma_semaphore, #tpu.memory_space<semaphore_mem>>
      %dma_start3A_140 = arith.constant 0 : i32
      %dma_start3A_141 = tpu.memref_slice %arg39[%dma_start3A_140] : memref<102400xf32, #tpu.memory_space<vmem_shared>> -> memref<102400xf32, #tpu.memory_space<vmem_shared>>
      tpu.enqueue_indirect_dma source(%arg35 : memref<4000xf32, #tpu.memory_space<vmem>>) target(%dma_start3A_141 : memref<102400xf32, #tpu.memory_space<vmem_shared>>) offsets(%arg25 : memref<4000xi32, #tpu.memory_space<vmem>>) semaphore(%run_scoped3A : memref<!tpu.dma_semaphore, #tpu.memory_space<semaphore_mem>>) {add = true}
      %dma_wait3A_142 = arith.constant 0 : i32
      %dma_wait3A_143 = tpu.memref_slice %arg39[%dma_wait3A_142] : memref<102400xf32, #tpu.memory_space<vmem_shared>> -> memref<102400xf32, #tpu.memory_space<vmem_shared>>
      tpu.wait_indirect_dma semaphore(%run_scoped3A : memref<!tpu.dma_semaphore, #tpu.memory_space<semaphore_mem>>) src(%arg35 : memref<4000xf32, #tpu.memory_space<vmem>>) dst(%dma_wait3A_143 : memref<102400xf32, #tpu.memory_space<vmem_shared>>)
      tpu.yield
    }) : () -> ()
    %barrier3A_133 = arith.constant 0 : index
    tpu.barrier barrier_id(%barrier3A_133)
    %mul3A_134 = arith.constant 102400 : i32
    %mul3A_135 = arith.muli %arg0, %mul3A_134 : i32
    %mul3A_136 = arith.constant 6400 : i32
    %mul3A_137 = arith.muli %arg1, %mul3A_136 : i32
    %add3A_138 = arith.addi %mul3A_135, %mul3A_137 : i32
    %multiple_of3A_139 = tpu.assume_multiple %add3A_138, 8 : i32
    "tpu.region"() ({
      %run_scoped3A = tpu.sem_alloc : memref<!tpu.dma_semaphore, #tpu.memory_space<semaphore_mem>>
      %dma_start3A_140 = tpu.memref_slice %arg11[%multiple_of3A_139] : memref<204800xf32, #tpu.memory_space<hbm>> -> memref<6400xf32, #tpu.memory_space<hbm>>
      %dma_start3A_141 = tpu.memref_slice %arg39[%mul3A_2] : memref<102400xf32, #tpu.memory_space<vmem_shared>> -> memref<6400xf32, #tpu.memory_space<vmem_shared>>
      tpu.enqueue_dma source(%dma_start3A_141 : memref<6400xf32, #tpu.memory_space<vmem_shared>>) target(%dma_start3A_140 : memref<6400xf32, #tpu.memory_space<hbm>>) target_semaphore(%run_scoped3A : memref<!tpu.dma_semaphore, #tpu.memory_space<semaphore_mem>>)
      %dma_wait3A_142 = tpu.memref_slice %arg11[%multiple_of3A_139] : memref<204800xf32, #tpu.memory_space<hbm>> -> memref<6400xf32, #tpu.memory_space<hbm>>
      %dma_wait3A_143 = tpu.memref_slice %arg39[%mul3A_2] : memref<102400xf32, #tpu.memory_space<vmem_shared>> -> memref<6400xf32, #tpu.memory_space<vmem_shared>>
      tpu.wait_dma2 semaphore(%run_scoped3A : memref<!tpu.dma_semaphore, #tpu.memory_space<semaphore_mem>>) src(%dma_wait3A_143 : memref<6400xf32, #tpu.memory_space<vmem_shared>>) dst(%dma_wait3A_142 : memref<6400xf32, #tpu.memory_space<hbm>>)
      tpu.yield
    }) : () -> ()
    return
  }
}

module attributes {stable_mosaic.version = 14 : i64} {
  func.func @_combine_body(%arg0: memref<2x800x128xf32, #tpu.memory_space<vmem>>, %arg1: memref<800x128xf32, #tpu.memory_space<vmem>>) attributes {dimension_semantics = [], scalar_prefetch = 0 : i64, scratch_operands = 0 : i64, tpu.core_type = #tpu.core_type<tc>} {
    %get3A = arith.constant 0 : index
    %get3A_0 = arith.constant 0 : index
    %get3A_1 = arith.constant 0 : index
    %get3A_2 = vector.load %arg0[%get3A, %get3A_0, %get3A_1] : memref<2x800x128xf32, #tpu.memory_space<vmem>>, vector<1x800x128xf32>
    %get3A_3 = vector.shape_cast %get3A_2 : vector<1x800x128xf32> to vector<800x128xf32>
    %get3A_4 = arith.constant 1 : index
    %get3A_5 = arith.constant 0 : index
    %get3A_6 = arith.constant 0 : index
    %get3A_7 = vector.load %arg0[%get3A_4, %get3A_5, %get3A_6] : memref<2x800x128xf32, #tpu.memory_space<vmem>>, vector<1x800x128xf32>
    %get3A_8 = vector.shape_cast %get3A_7 : vector<1x800x128xf32> to vector<800x128xf32>
    %add3A = arith.addf %get3A_3, %get3A_8 : vector<800x128xf32>
    %mul3A = arith.constant 5.000000e-01 : f32
    %mul3A_9 = vector.broadcast %mul3A : f32 to vector<800x128xf32>
    %mul3A_10 = arith.mulf %mul3A_9, %add3A : vector<800x128xf32>
    %swap3A = arith.constant 0 : index
    %swap3A_11 = arith.constant 0 : index
    %swap3A_12 = vector.load %arg1[%swap3A, %swap3A_11] : memref<800x128xf32, #tpu.memory_space<vmem>>, vector<800x128xf32>
    tpu.vector_store %arg1[%swap3A, %swap3A_11], %mul3A_10 {strides = array<i32>} : memref<800x128xf32, #tpu.memory_space<vmem>>, vector<800x128xf32>,
    return
  }
}

</mosaic_0001>

<sc_bundles>
// kernel: kernel.4.cloned.1.call-start
scs
__scs_entry_jumppad:
0x0: {  	(pc) =	sbr.rel $0x88, $3  }
0x1: {  	(tag) =	ssettag $0x0;
	lr =	simm.s32 $0x1  }
0x2: {  	[smem:$0x3F9E] =	sst lr;
	_ =	strace $0xD0000000  }
0x3: {  	_ = 	snop  }
0x4: {  	_ = 	snop  }
0x5: {  	_ = 	snop  }
0x6: {  	_ = 	snop  }
0x7: {  	_ = 	snop  }
__scs_overlays_trampoline_lowered:
0x8: {  	[smem:$0x3FAD] =	sst s0  }
0x9: {  	[smem:$0x3FAE] =	sst s1  }
0xa: {  	[smem:$0x3FAF] =	sst s2  }
0xb: {  	[smem:$0x3FB0] =	sst s3  }
0xc: {  	[smem:$0x3FB1] =	sst s4  }
0xd: {  	[smem:$0x3FB2] =	sst s5  }
0xe: {  	[smem:$0x3FB3] =	sst s6  }
0xf: {  	[smem:$0x3FB4] =	sst s7  }
0x10: {  	[smem:$0x3FB5] =	sst s8  }
0x11: {  	[smem:$0x3FB6] =	sst s9;
	s0 =	simm.s32 @!p0 $0x0  }
0x12: {  	s1 =	sld [smem:$0x3F9C];
	s0 =	simm.s32 @p0 $0x1  }
0x13: {  	[smem:$0x3FB7] =	sst s0;
	s0 =	simm.s32 @!p1 $0x0  }
0x14: {  	s2 =	sld [smem:$0x3F9B];
	s0 =	simm.s32 @p1 $0x1  }
0x15: {  	[smem:$0x3FB8] =	sst s0;
	s0 =	simm.s32 @!p2 $0x0  }
0x16: {  	s3 =	sld [smem:$0x3FDB];
	s0 =	simm.s32 @p2 $0x1  }
0x17: {  	s4 =	simm.s32 $0x1BF5;
	[smem:$0x3FBA] =	sst s0  }
0x18: {  	s0 =	sld [smem:$0x3F9D];
	_ =	swait.ge [sflag:s4], $0x0  }
0x19: {  	s7 =	sld [smem:$0x3F9E]  }
0x1a: {  	s8 =	sadd.s32 $0xFFFFE003, lr  }
0x1b: {  	s9 =	sadd.s32 $0xFFFFFEF7, lr;
	s5 =	simm.s32 $0xFFFFFFFF;
	p2 =	slt.u32 s8, $0xFFFFF086  }
0x1c: {  	p1 =	slt.u32 s9, $0xF7A;
	s5 =	simm.s32 @!p2 $0x0  }
0x1d: {  	s5 =	simm.s32 @p1 $0x1;
	p0 =	seq.s32 s7, s2  }
0x1e: {  	s7 =	smul.u32 @!p0 $0xF7A, s2;
	p2 =	seq.s32 @!p0 s5, $0x0  }
0x1f: {  	s9 =	smul.u32 $0xF7A, s1;
	s8 =	simm.s32 @!p0 $0x1BF5;
	p2 =	por !p2, p0  }
0x20: {  	[sflag:s8] =	ssyncset.s32 @!p0 $0xFFFFF086;
	s6 =	sadd.s32 @!p0 s3, s7;
	s7 =	simm.s32 @!p0 $0x108  }
0x21: {  	s3 =	sadd.s32 s3, s9;
	s6 =	sadd.s32 @!p0 $0x88, s6;
	s7 =	simm.s32 @p2 $0x1082  }
0x22: {  	[simem:s7], [sflag:s8] =	dma.local @!p0 [hbm:s6], $0xF7A  }
0x23: {  	s9 =	sor.u32 $0xD0000000, s2;
	s6 =	simm.s32 $0x108;
	_ =	swait.ge @!p0 [sflag:s8], $0x0  }
0x24: {  	s3 =	sadd.s32 $0x88, s3;
	s6 =	simm.s32 @!p1 $0x1082;
	[sflag:s4] =	ssyncset.s32 $0xFFFFF086  }
0x25: {  	[simem:s6], [sflag:s4] =	dma.local [hbm:s3], $0xF7A  }
0x26: {  	[smem:$0x3F9E] =	sst s1;
	(tag) =	ssettag s2;
	_ =	strace s9  }
0x27: {  	s1 =	sld [smem:$0x3FAE]  }
0x28: {  	s2 =	sld [smem:$0x3FAF]  }
0x29: {  	s4 =	sld [smem:$0x3FB1]  }
0x2a: {  	p0 =	seq.s32 s5, $0x0;
	s5 =	sld [smem:$0x3FB2]  }
0x2b: {  	s6 =	sld [smem:$0x3FB3]  }
0x2c: {  	s7 =	sld [smem:$0x3FB4]  }
0x2d: {  	s3 =	simm.s32 $0x108;
	s8 =	sld [smem:$0x3FB5]  }
0x2e: {  	s3 =	simm.s32 @!p0 $0x1082;
	s9 =	sld [smem:$0x3FB6]  }
0x2f: {  	lr =	sadd.s32 s0, s3;
	s0 =	sld [smem:$0x3FAD]  }
0x30: {  	s3 =	sld [smem:$0x3FB0]  }
0x31: {  	[smem:$0x3FB9] =	sst s10  }
0x32: {  	s10 =	sld [smem:$0x3FB7];
	_ =	sdelay $0x3  }
0x33: {  	p0 =	seq.s32 s10, $0x1;
	s10 =	sld [smem:$0x3FB9];
	_ =	sdelay $0x3  }
0x34: {  	[smem:$0x3FB9] =	sst s10  }
0x35: {  	s10 =	sld [smem:$0x3FB8];
	_ =	sdelay $0x3  }
0x36: {  	p1 =	seq.s32 s10, $0x1;
	s10 =	sld [smem:$0x3FB9];
	_ =	sdelay $0x3  }
0x37: {  	[smem:$0x3FB9] =	sst s10  }
0x38: {  	s10 =	sld [smem:$0x3FBA]  }
0x39: {  	_ = 	snop;
	(pc) =	sbr.ind lr, $3  }
0x3a: {  	_ = 	snop  }
0x3b: {  	_ = 	snop  }
0x3c: {  	p2 =	seq.s32 s10, $0x1;
	s10 =	sld [smem:$0x3FB9]  }
0x3d: {  	_ =	shalt  }
0x3e: {  	_ =	shalt  }
0x3f: {  	_ =	shalt  }
0x40: {  	_ =	shalt  }
0x41: {  	_ =	shalt  }
0x42: {  	_ =	shalt  }
0x43: {  	_ =	shalt  }
0x44: {  	_ =	shalt  }
0x45: {  	_ =	shalt  }
0x46: {  	_ =	shalt  }
0x47: {  	_ =	shalt  }
0x48: {  	_ =	shalt  }
0x49: {  	_ =	shalt  }
0x4a: {  	_ =	shalt  }
0x4b: {  	_ =	shalt  }
0x4c: {  	_ =	shalt  }
0x4d: {  	_ =	shalt  }
0x4e: {  	_ =	shalt  }
0x4f: {  	_ =	shalt  }
0x50: {  	_ =	shalt  }
0x51: {  	_ =	shalt  }
0x52: {  	_ =	shalt  }
0x53: {  	_ =	shalt  }
0x54: {  	_ =	shalt  }
0x55: {  	_ =	shalt  }
0x56: {  	_ =	shalt  }
0x57: {  	_ =	shalt  }
0x58: {  	_ =	shalt  }
0x59: {  	_ =	shalt  }
0x5a: {  	_ =	shalt  }
0x5b: {  	_ =	shalt  }
0x5c: {  	_ =	shalt  }
0x5d: {  	_ =	shalt  }
0x5e: {  	_ =	shalt  }
0x5f: {  	_ =	shalt  }
0x60: {  	_ =	shalt  }
0x61: {  	_ =	shalt  }
0x62: {  	_ =	shalt  }
0x63: {  	_ =	shalt  }
0x64: {  	_ =	shalt  }
0x65: {  	_ =	shalt  }
0x66: {  	_ =	shalt  }
0x67: {  	_ =	shalt  }
0x68: {  	_ =	shalt  }
0x69: {  	_ =	shalt  }
0x6a: {  	_ =	shalt  }
0x6b: {  	_ =	shalt  }
0x6c: {  	_ =	shalt  }
0x6d: {  	_ =	shalt  }
0x6e: {  	_ =	shalt  }
0x6f: {  	_ =	shalt  }
0x70: {  	_ =	shalt  }
0x71: {  	_ =	shalt  }
0x72: {  	_ =	shalt  }
0x73: {  	_ =	shalt  }
0x74: {  	_ =	shalt  }
0x75: {  	_ =	shalt  }
0x76: {  	_ =	shalt  }
0x77: {  	_ =	shalt  }
0x78: {  	_ =	shalt  }
0x79: {  	_ =	shalt  }
0x7a: {  	_ =	shalt  }
0x7b: {  	_ =	shalt  }
0x7c: {  	_ =	shalt  }
0x7d: {  	_ =	shalt  }
0x7e: {  	_ =	shalt  }
0x7f: {  	_ =	shalt  }
0x80: {  	_ =	shalt  }
0x81: {  	_ =	shalt  }
0x82: {  	_ =	shalt  }
0x83: {  	_ =	shalt  }
0x84: {  	_ =	shalt  }
0x85: {  	_ =	shalt  }
0x86: {  	_ =	shalt  }
0x87: {  	_ =	shalt  }
.Lfunc_end0:
.L_simem_size_0:
called_computation_lowered:
.L_overlay_start_0:
0x88: {  	s2 =	sld [smem:$0x3FD9]  }
0x89: {  	s3 =	sld [smem:$0x3FFE];
	_ =	sdelay $0x1  }
0x8a: {  	s1 =	srdreg.scid  }
0x8b: {  	s0 =	sand.u32 $0x1, s1  }
0x8c: {  	s16 =	sshll.u32 s0, $0xA;
	s2 =	sadd.s32 s3, s2  }
0x8d: {  	s2 =	sadd.s32 s2, s16  }
0x8e: {  	[smem:$0x3FC5] =	sst s2  }
0x8f: {  	_ = 	snop  }
0x90: {  	(tm) =	ssettm $0x1  }
0x91: {  	s17 =	sld [smem:$0x3FFB];
	_ =	sdelay $0x3  }
0x92: {  	_ =	strace s17  }
0x93: {  	s2 =	sld [smem:$0x3FFC];
	_ =	sdelay $0x3  }
0x94: {  	_ =	strace s2  }
0x95: {  	s2 =	sld [smem:$0x3FFD];
	_ =	sdelay $0x3  }
0x96: {  	_ =	strace s2  }
0x97: {  	_ =	strace $0x8FFFFFFF  }
0x98: {  	s18 =	sld [smem:$0x3FDB];
	_ =	sdelay $0x1  }
0x99: {  	s19 =	simm.s32 $_scs_section_size  }
0x9a: {  	s4 =	simm.s32 $_size__tile_overlayer_lowered;
	s5 =	simm.s32 $_tile_overlayer_lowered  }
0x9b: {  	s22 =	simm.s32 $0x1BFF;
	s21 =	sshll.u32 s5, $0x1;
	s2 =	sadd.s32 s19, s18  }
0x9c: {  	s6 =	simm.s32 $0x0;
	s20 =	sshll.u32 s4, $0x1;
	s4 =	sadd.s32 s21, s2  }
0x9d: {  	[timem:s6], [sflag:s22] =	dma.local [hbm:s4], s20  }
0x9e: {  	_ =	swait.ge [sflag:s22], s20  }
0x9f: {  	s3 =	ssub.s32 $0x0, s20;
	[sflag:s22] =	ssyncset.done $0x0  }
0xa0: {  	[sflag:s22] =	ssyncadd.s32 s3;
	_ =	sdelay $0x1  }
0xa1: {  	s23 =	simm.s32 $0x1B8B  }
0xa2: {  	_ =	swait.ge [sflag:s23], $0x1  }
0xa3: {  	[sflag:s23] =	ssyncset.done $0x0  }
0xa4: {  	s25 =	simm.s32 $0x1B8E;
	s24 =	sld [smem:$0x3FFE];
	[sflag:s23] =	ssyncadd.s32 $0xFFFFFFFF  }
0xa5: {  	s26 =	simm.s32 $execute0_lowered;
	[smem:$0x3FD2] =	sst s25  }
0xa6: {  	s4 =	sshll.u32 s26, $0x1;
	_ =	strace $0x80000046;
	[dreg:$0x1] =	wrdreg $0xFFFFFFFF  }
0xa7: {  	s28 =	simm.s32 $_size_execute0_lowered;
	s2 =	sadd.s32 s2, s4;
	[dreg:$0x0] =	wrdreg $0x0  }
0xa8: {  	s4 =	sshll.u32 s28, $0x1;
	[dreg:$0x2] =	wrdreg s2  }
0xa9: {  	[dreg:$0x3] =	wrdreg s4  }
0xaa: {  	[dreg:$0x4] =	wrdreg $0xC0  }
0xab: {  	_ =	task [dreg:s6], $0x5FFFF  }
0xac: {  	[dreg:$0x1] =	wrdreg $0xFFFFFFFF  }
0xad: {  	[dreg:$0x0] =	wrdreg $0x60  }
0xae: {  	[dreg:$0x2] =	wrdreg s24  }
0xaf: {  	[dreg:$0x3] =	wrdreg $0x180000  }
0xb0: {  	[dreg:$0x4] =	wrdreg $0x199000  }
0xb1: {  	[dreg:$0x5] =	wrdreg $0x1B2000  }
0xb2: {  	[dreg:$0x6] =	wrdreg $0x1CB000  }
0xb3: {  	[dreg:$0x7] =	wrdreg $0x9  }
0xb4: {  	_ =	task.clear_ibuf [dreg:s6], $0x8FFFF;
	_ =	strace $0x90000046  }
0xb5: {  	s29 =	simm.s32 $0x9;
	_ =	strace $0x80000048  }
0xb6: {  	_ =	swait.ge [sflag:s29], $0x1  }
0xb7: {  	[sflag:s29] =	ssyncadd.s32 $0xFFFFFFFF  }
0xb8: {  	_ =	strace $0x90000048  }
0xb9: {  	_ =	sfence  }
0xba: {  	s30 =	sld [smem:$0x0];
	_ =	sdelay $0x2  }
0xbb: {  	s31 =	sshll.u32 s1, $0xD;
	s1 =	sshrl.u32 s1, $0x2  }
0xbc: {  	s3 =	sand.u32 $0x4000, s31;
	s1 =	sadd.s32 s1, s30  }
0xbd: {  	s0 =	sor.u32 s3, s0;
	s1 =	sshll.u32 s1, $0x11  }
0xbe: {  	s0 =	sor.u32 s1, s0  }
0xbf: {  	s0 =	sadd.s32 $0x8F2B, s0  }
0xc0: {  	[sflag:s0] =	ssyncadd.remote.s32 $0x1  }
0xc1: {  	_ =	sfence.sel $0xFFFF  }
0xc2: {  	[dreg:$0x0] =	wrdreg $0xFFFFFFFF;
	(pc) =	sbr.abs _section_cstart, $3  }
0xc3: {  	[dreg:$0x1] =	wrdreg $0xFFFFFFFF  }
0xc4: {  	_ =	task.clear_ibuf [dreg:s6], $0x2FFFF;
	_ =	strace $0x9FFFFFFF  }
0xc5: {  	(tm) =	ssettm $0x7FFFFFFF  }
tec
execute0_lowered:
.L_overlay_start_1:
0x0: {  	(tag) =	ssettag $0x1  }
0x1: {  	s0 =	rddreg [dreg:$0x0]  }
0x2: {  	s1 =	rddreg [dreg:$0x1]  }
0x3: {  	s2 =	rddreg [dreg:$0x2]  }
0x4: {  	s3 =	rddreg [dreg:$0x3]  }
0x5: {  	s4 =	rddreg [dreg:$0x4];
	s6 =	simm.s32 $0x0;
	s18 =	stileid.u32  }
0x6: {  	s5 =	srdreg.scid;
	[smem:$0x7FF] =	sst s6  }
0x7: {  	s7 =	sadd.s32 $0xCD800, s0;
	s12 =	smul.u32 $0x1900, s18;
	s8 =	sadd.s32 $0xA200, s0  }
0x8: {  	s5 =	sand.u32 $0x1, s5;
	s9 =	sadd.s32 $0x317A00, s0;
	s10 =	sadd.s32 $0x254400, s0  }
0x9: {  	s11 =	sadd.s32 $0x190E00, s0;
	s17 =	sshll.u32 s18, $0x1;
	s18 =	sshll.u32 s18, $0x6  }
0xa: {  	_ =	strace $0x80000047;
	s13 =	smul.u32 $0x19000, s5;
	s15 =	ssub.s32 $0x2, s5  }
0xb: {  	s5 =	sor.u32 s5, s17;
	s18 =	sor.u32 $0x1C05, s18;
	s14 =	sshrl.u32 s12, $0x3  }
0xc: {  	s16 =	sshrl.u32 s15, $0x1;
	s5 =	smul.u32 $0x30D40, s5;
	s13 =	sadd.s32 s12, s13  }
0xd: {  	[dreg:$0x7] =	wrdreg s18;
	s14 =	sadd.s32 s14, s0;
	s13 =	sshrl.u32 s13, $0x3  }
0xe: {  	s17 =	sadd.s32 $0x7000, s14;
	s19 =	sadd.s32 $0x3E00, s14;
	s20 =	sadd.s32 $0x3DB000, s14  }
0xf: {  	s21 =	sshrl.u32 s5, $0x3;
	s0 =	sadd.s32 s13, s0;
	[dreg:$0x6] =	wrdreg s17  }
0x10: {  	s13 =	ssub.s32 s15, s16;
	s15 =	sadd.s32 s12, s1;
	[dreg:$0x8] =	wrdreg s19  }
0x11: {  	s16 =	sadd.s32 s12, s2;
	s19 =	sadd.s32 $0xC00, s14;
	[dreg:$0xb] =	wrdreg s20  }
0x12: {  	s17 =	sadd.s32 s12, s3;
	s12 =	sadd.s32 s12, s4;
	[dreg:$0x9] =	wrdreg s19  }
0x13: {  	s22 =	sadd.s32 s7, s21;
	[dreg:$0xa] =	wrdreg s12  }
0x14: {  	s23 =	sadd.s32 s8, s21;
	[dreg:$0xc] =	wrdreg s22  }
0x15: {  	s24 =	sadd.s32 s9, s21;
	[dreg:$0xd] =	wrdreg s23  }
0x16: {  	s31 =	simm.s32 $0xC000;
	s25 =	sadd.s32 s10, s21;
	[dreg:$0xe] =	wrdreg s24  }
0x17: {  	s28 =	simm.s32 $0x4;
	s26 =	sadd.s32 s11, s21;
	[dreg:$0xf] =	wrdreg s25  }
0x18: {  	s29 =	sadd.s32 $0x1F40, s5;
	[dreg:$0x10] =	wrdreg s26;
	s0 =	sadd.s32 $0x3DE200, s0  }
0x19: {  	s30 =	sadd.s32 $0x2EE0, s5;
	s23 =	smax.u32 s13, $0x1;
	[dreg:$0x16] =	wrdreg s0  }
0x1a: {  	s5 =	simm.s32 $0x17000;
	s24 =	sshrl.u32 s15, $0x3;
	[dreg:$0x17] =	wrdreg s23  }
0x1b: {  	s14 =	simm.s32 $0x0;
	s25 =	sshrl.u32 s16, $0x3;
	[dreg:$0x18] =	wrdreg s24  }
0x1c: {  	s12 =	sadd.s32 $0x1F4, s21;
	s26 =	sshrl.u32 s17, $0x3;
	[dreg:$0x19] =	wrdreg s25  }
0x1d: {  	s15 =	simm.s32 $0x5;
	s19 =	sadd.s32 s7, s12;
	[dreg:$0x1a] =	wrdreg s26  }
0x1e: {  	s16 =	simm.s32 $0x1000;
	s20 =	sadd.s32 s8, s12;
	[dreg:$0x11] =	wrdreg s19  }
0x1f: {  	s13 =	simm.s32 $0x2;
	s21 =	sadd.s32 s9, s12;
	[dreg:$0x12] =	wrdreg s20  }
0x20: {  	s17 =	simm.s32 $0x3;
	s22 =	sadd.s32 s10, s12;
	[dreg:$0x13] =	wrdreg s21  }
0x21: {  	s12 =	sadd.s32 s11, s12;
	s0 =	simm.s32 $0xD000;
	[dreg:$0x14] =	wrdreg s22  }
0x22: {  	[dreg:$0x15] =	wrdreg s12;
	s20 =	simm.s32 $0x1;
	s21 =	simm.s32 $0xFA0  }
.LBB2_1:
0x23: {  	[dreg:$0x1b] =	wrdreg s14  }
0x24: {  	s12 =	rddreg [dreg:$0x6]  }
0x25: {  	s26 =	rddreg [dreg:$0x18]  }
0x26: {  	[spmem:s26], [sflag:s18] =	dma.local [hbm:s12], $0x320  }
0x27: {  	_ =	swait.ge [sflag:s15], $0x320  }
0x28: {  	[sflag:s15] =	ssyncset.done $0x0;
	s14 =	rddreg [dreg:$0x8]  }
0x29: {  	s19 =	rddreg [dreg:$0x19];
	[sflag:s15] =	ssyncadd.s32 $0xFFFFFCE0  }
0x2a: {  	[spmem:s19], [sflag:s18] =	dma.local [hbm:s14], $0x320  }
0x2b: {  	_ =	swait.ge [sflag:s15], $0x320  }
0x2c: {  	[sflag:s15] =	ssyncset.done $0x0;
	s22 =	rddreg [dreg:$0x9]  }
0x2d: {  	s23 =	rddreg [dreg:$0x1a];
	[sflag:s15] =	ssyncadd.s32 $0xFFFFFCE0  }
0x2e: {  	[spmem:s23], [sflag:s18] =	dma.local [hbm:s22], $0x320  }
0x2f: {  	_ =	swait.ge [sflag:s15], $0x320  }
0x30: {  	s24 =	rddreg [dreg:$0xa]  }
0x31: {  	[sflag:s15] =	ssyncset.done $0x0;
	s26 =	rddreg [dreg:$0xb];
	s25 =	sshrl.u32 s24, $0x3  }
0x32: {  	[sflag:s15] =	ssyncadd.s32 $0xFFFFFCE0;
	[dreg:$0x1c] =	wrdreg s25  }
0x33: {  	[spmem:s25], [sflag:s18] =	dma.local [hbm:s26], $0x320  }
0x34: {  	_ =	swait.ge [sflag:s15], $0x320  }
0x35: {  	[sflag:s15] =	ssyncset.done $0x0  }
0x36: {  	[sflag:s15] =	ssyncadd.s32 $0xFFFFFCE0  }
0x37: {  	[bflag:$0x0] =	sbarrier.arrive $0xFFFF  }
0x38: {  	s19 =	rddreg [dreg:$0xc]  }
0x39: {  	[tilespmem:s6], [sflag:$0x1] =	stream.linear.gather [hbm4b:s19+s6], $0xFA0, $0x38;
	[tilespmem:$0x1E400] =	vst v63  }
0x3a: {  	s22 =	rddreg [dreg:$0xd]  }
0x3b: {  	[tilespmem:s16], [sflag:$0x1] =	stream.linear.gather [hbm4b:s22+s6], $0xFA0, $0x38;
	[tilespmem:$0x1E400] =	vst v63  }
0x3c: {  	s24 =	simm.s32 $0x2000;
	s23 =	rddreg [dreg:$0xe]  }
0x3d: {  	[tilespmem:s24], [sflag:$0x1] =	stream.linear.gather [hbm4b:s23+s6], $0xFA0, $0x38;
	[tilespmem:$0x1E400] =	vst v63  }
0x3e: {  	s26 =	simm.s32 $0x3000;
	s25 =	rddreg [dreg:$0xf]  }
0x3f: {  	[tilespmem:s26], [sflag:$0x1] =	stream.linear.gather [hbm4b:s25+s6], $0xFA0, $0x38;
	[tilespmem:$0x1E400] =	vst v63  }
0x40: {  	s18 =	simm.s32 $0x4000;
	s14 =	rddreg [dreg:$0x10]  }
0x41: {  	[tilespmem:s18], [sflag:$0x1] =	stream.linear.gather [hbm4b:s14+s6], $0xFA0, $0x38;
	[tilespmem:$0x1E400] =	vst v63  }
0x42: {  	_ =	swait.ge [sflag:s20], $0xFA0  }
0x43: {  	[sflag:s20] =	ssyncset.done $0x0  }
0x44: {  	[sflag:s20] =	ssyncadd.s32 $0xFFFFF060  }
0x45: {  	_ =	swait.ge [sflag:s20], $0xFA0  }
0x46: {  	[sflag:s20] =	ssyncset.done $0x0  }
0x47: {  	[sflag:s20] =	ssyncadd.s32 $0xFFFFF060  }
0x48: {  	_ =	swait.ge [sflag:s20], $0xFA0  }
0x49: {  	[sflag:s20] =	ssyncset.done $0x0  }
0x4a: {  	[sflag:s20] =	ssyncadd.s32 $0xFFFFF060  }
0x4b: {  	_ =	swait.ge [sflag:s20], $0xFA0  }
0x4c: {  	[sflag:s20] =	ssyncset.done $0x0  }
0x4d: {  	[sflag:s20] =	ssyncadd.s32 $0xFFFFF060  }
0x4e: {  	_ =	swait.ge [sflag:s20], $0xFA0  }
0x4f: {  	[sflag:s20] =	ssyncset.done $0x0  }
0x50: {  	s19 =	simm.s32 $0x5000;
	[sflag:s20] =	ssyncadd.s32 $0xFFFFF060  }
0x51: {  	[tilespmem:s19], [sflag:$0x3] =	stream.indirect.gather [spmem:s1], $0x1, s6, s21, $0xb8;
	[tilespmem:$0x1E400] =	vst v63  }
0x52: {  	s22 =	simm.s32 $0x6000  }
0x53: {  	[tilespmem:s22], [sflag:$0x3] =	stream.indirect.gather [spmem:s2], $0x1, s6, s21, $0xb8;
	[tilespmem:$0x1E400] =	vst v63  }
0x54: {  	s23 =	simm.s32 $0x7000  }
0x55: {  	[tilespmem:s23], [sflag:$0x3] =	stream.indirect.gather [spmem:s3], $0x1, s6, s21, $0xb8;
	[tilespmem:$0x1E400] =	vst v63  }
0x56: {  	s24 =	simm.s32 $0x8000  }
0x57: {  	[tilespmem:s24], [sflag:$0x3] =	stream.indirect.gather [spmem:s1], $0x1, s16, s21, $0xb8;
	[tilespmem:$0x1E400] =	vst v63  }
0x58: {  	s25 =	simm.s32 $0x9000  }
0x59: {  	[tilespmem:s25], [sflag:$0x3] =	stream.indirect.gather [spmem:s2], $0x1, s16, s21, $0xb8;
	[tilespmem:$0x1E400] =	vst v63  }
0x5a: {  	s26 =	simm.s32 $0xA000  }
0x5b: {  	[tilespmem:s26], [sflag:$0x3] =	stream.indirect.gather [spmem:s3], $0x1, s16, s21, $0xb8;
	[tilespmem:$0x1E400] =	vst v63  }
0x5c: {  	s14 =	rddreg [dreg:$0x11]  }
0x5d: {  	[tilespmem:s31], [sflag:$0x2] =	stream.linear.gather [hbm4b:s14+s6], $0xFA0, $0x38;
	[tilespmem:$0x1E400] =	vst v63  }
0x5e: {  	s18 =	rddreg [dreg:$0x12]  }
0x5f: {  	[tilespmem:s0], [sflag:$0x2] =	stream.linear.gather [hbm4b:s18+s6], $0xFA0, $0x38;
	[tilespmem:$0x1E400] =	vst v63  }
0x60: {  	s19 =	rddreg [dreg:$0x13];
	s22 =	simm.s32 $0xE000  }
0x61: {  	[tilespmem:s22], [sflag:$0x2] =	stream.linear.gather [hbm4b:s19+s6], $0xFA0, $0x38;
	[tilespmem:$0x1E400] =	vst v63  }
0x62: {  	s23 =	rddreg [dreg:$0x14];
	s24 =	simm.s32 $0xF000  }
0x63: {  	[tilespmem:s24], [sflag:$0x2] =	stream.linear.gather [hbm4b:s23+s6], $0xFA0, $0x38;
	[tilespmem:$0x1E400] =	vst v63  }
0x64: {  	s12 =	simm.s32 $0x0;
	s25 =	rddreg [dreg:$0x15];
	s26 =	simm.s32 $0x10000  }
0x65: {  	[tilespmem:s26], [sflag:$0x2] =	stream.linear.gather [hbm4b:s25+s6], $0xFA0, $0x38;
	[tilespmem:$0x1E400] =	vst v63  }
.LBB2_2:
0x66: {  	_ =	swait.ge [sflag:s13], $0xFA0  }
0x67: {  	[sflag:s13] =	ssyncset.done $0x0  }
0x68: {  	[sflag:s13] =	ssyncadd.s32 $0xFFFFF060  }
0x69: {  	_ =	swait.ge [sflag:s13], $0xFA0  }
0x6a: {  	[sflag:s13] =	ssyncset.done $0x0  }
0x6b: {  	[sflag:s13] =	ssyncadd.s32 $0xFFFFF060  }
0x6c: {  	_ =	swait.ge [sflag:s13], $0xFA0  }
0x6d: {  	[sflag:s13] =	ssyncset.done $0x0  }
0x6e: {  	[sflag:s13] =	ssyncadd.s32 $0xFFFFF060  }
0x6f: {  	_ =	swait.ge [sflag:s13], $0xFA0  }
0x70: {  	[sflag:s13] =	ssyncset.done $0x0  }
0x71: {  	[sflag:s13] =	ssyncadd.s32 $0xFFFFF060  }
0x72: {  	_ =	swait.ge [sflag:s13], $0xFA0  }
0x73: {  	[sflag:s13] =	ssyncset.done $0x0  }
0x74: {  	[sflag:s13] =	ssyncadd.s32 $0xFFFFF060  }
0x75: {  	_ =	swait.ge [sflag:s17], $0xFA0  }
0x76: {  	[sflag:s17] =	ssyncset.done $0x0  }
0x77: {  	[sflag:s17] =	ssyncadd.s32 $0xFFFFF060  }
0x78: {  	_ =	swait.ge [sflag:s17], $0xFA0  }
0x79: {  	[sflag:s17] =	ssyncset.done $0x0  }
0x7a: {  	[sflag:s17] =	ssyncadd.s32 $0xFFFFF060  }
0x7b: {  	_ =	swait.ge [sflag:s17], $0xFA0  }
0x7c: {  	[sflag:s17] =	ssyncset.done $0x0  }
0x7d: {  	[sflag:s17] =	ssyncadd.s32 $0xFFFFF060  }
0x7e: {  	_ =	swait.ge [sflag:s17], $0xFA0  }
0x7f: {  	[sflag:s17] =	ssyncset.done $0x0  }
0x80: {  	[sflag:s17] =	ssyncadd.s32 $0xFFFFF060  }
0x81: {  	_ =	swait.ge [sflag:s17], $0xFA0  }
0x82: {  	[sflag:s17] =	ssyncset.done $0x0  }
0x83: {  	[sflag:s17] =	ssyncadd.s32 $0xFFFFF060  }
0x84: {  	_ =	swait.ge [sflag:s17], $0xFA0  }
0x85: {  	[sflag:s17] =	ssyncset.done $0x0  }
0x86: {  	s14 =	simm.s32 $0x11000;
	[sflag:s17] =	ssyncadd.s32 $0xFFFFF060  }
0x87: {  	[tilespmem:s14], [sflag:$0x4] =	stream.indirect.gather [spmem:s1], $0x1, s31, s21, $0xb8;
	[tilespmem:$0x1E400] =	vst v63  }
0x88: {  	s22 =	simm.s32 $0x12000  }
0x89: {  	[tilespmem:s22], [sflag:$0x4] =	stream.indirect.gather [spmem:s2], $0x1, s31, s21, $0xb8;
	[tilespmem:$0x1E400] =	vst v63  }
0x8a: {  	s23 =	simm.s32 $0x13000  }
0x8b: {  	[tilespmem:s23], [sflag:$0x4] =	stream.indirect.gather [spmem:s3], $0x1, s31, s21, $0xb8;
	[tilespmem:$0x1E400] =	vst v63  }
0x8c: {  	s24 =	simm.s32 $0x14000  }
0x8d: {  	[tilespmem:s24], [sflag:$0x4] =	stream.indirect.gather [spmem:s1], $0x1, s0, s21, $0xb8;
	[tilespmem:$0x1E400] =	vst v63  }
0x8e: {  	s25 =	simm.s32 $0x15000  }
0x8f: {  	[tilespmem:s25], [sflag:$0x4] =	stream.indirect.gather [spmem:s2], $0x1, s0, s21, $0xb8;
	[tilespmem:$0x1E400] =	vst v63  }
0x90: {  	s26 =	simm.s32 $0x16000;
	s22 =	simm.s32 $0x0  }
0x91: {  	[tilespmem:s26], [sflag:$0x4] =	stream.indirect.gather [spmem:s3], $0x1, s0, s21, $0xb8;
	[tilespmem:$0x1E400] =	vst v63  }
0x92: {  	v0 =	vld [tilespmem:s22+$0x8000]  }
0x93: {  	v1 =	vld [tilespmem:s22+$0x5000]  }
0x94: {  	v2 =	vld [tilespmem:s22+$0x9000]  }
0x95: {  	v3 =	vld [tilespmem:s22+$0x6000]  }
0x96: {  	v4 =	vld [tilespmem:s22+$0x2000]  }
0x97: {  	v5 =	vld [tilespmem:s22+$0xA000]  }
0x98: {  	v6 =	vld [tilespmem:s22+$0x7000]  }
0x99: {  	v7 =	vld [tilespmem:s22+$0x3000];
	_ =	sdelay $0x1  }
0x9a: {  	v0 =	vsub.f32 v0, v1;
	v1 =	vld [tilespmem:s22+$0x4000]  }
0x9b: {  	s14 =	simm.s32 $0x10;
	v2 =	vsub.f32 v2, v3  }
0x9c: {  	v8 =	vld [tilespmem:s14+$0xA000];
	v5 =	vsub.f32 v5, v6  }
0x9d: {  	v3 =	vld [tilespmem:s14+$0x8000];
	v0 =	vadd.f32 v4, v0;
	v2 =	vadd.f32 v7, v2  }
0x9e: {  	v6 =	vld [tilespmem:s14+$0x9000]  }
0x9f: {  	v4 =	vld [tilespmem:s14+$0x5000];
	v0 =	vmul.f32 v0, v0;
	v2 =	vmul.f32 v2, v2;
	v1 =	vadd.f32 v1, v5  }
0xa0: {  	v7 =	vld [tilespmem:s14+$0x6000]  }
0xa1: {  	v9 =	vld [tilespmem:s14+$0x3000];
	v0 =	vadd.f32 v2, v0;
	v1 =	vmul.f32 v1, v1  }
0xa2: {  	v5 =	vld [tilespmem:s14+$0x2000]  }
0xa3: {  	v2 =	vld [tilespmem:s14+$0x7000];
	v10 =	vadd.f32 v1, v0  }
0xa4: {  	v0 =	vsub.f32 v3, v4  }
0xa5: {  	s18 =	simm.s32 $0x20;
	v1 =	vld [tilespmem:s14+$0x4000];
	v3 =	vsub.f32 v6, v7;
	v4 =	vshrl.u32 v10, $0x1;
	v6 =	vmul.f32 $5.000000000e-01, v10  }
0xa6: {  	v11 =	vld [tilespmem:s18+$0x6000];
	v4 =	vsub.s32 $0x5F3759DF, v4  }
0xa7: {  	v12 =	vld [tilespmem:s18+$0xA000];
	v0 =	vadd.f32 v5, v0;
	v7 =	vmul.f32 v4, v6  }
0xa8: {  	v5 =	vld [tilespmem:s18+$0x8000];
	v2 =	vsub.f32 v8, v2;
	v3 =	vadd.f32 v9, v3  }
0xa9: {  	v8 =	vld [tilespmem:s18+$0x5000];
	v7 =	vmul.f32 v4, v7  }
0xaa: {  	v9 =	vld [tilespmem:s18+$0x9000];
	v0 =	vmul.f32 v0, v0;
	v1 =	vadd.f32 v1, v2;
	v2 =	vmul.f32 v3, v3  }
0xab: {  	v3 =	vld [tilespmem:s18+$0x2000];
	v7 =	vsub.f32 $1.500000000e+00, v7  }
0xac: {  	v0 =	vadd.f32 v2, v0;
	v1 =	vmul.f32 v1, v1;
	v2 =	vld [tilespmem:s18+$0x7000]  }
0xad: {  	v4 =	vmul.f32 v4, v7;
	v7 =	vld [tilespmem:s18+$0x3000]  }
0xae: {  	v13 =	vadd.f32 v1, v0  }
0xaf: {  	v0 =	vsub.f32 v5, v8;
	v5 =	vld [tilespmem:s18+$0x4000];
	v1 =	vmul.f32 v4, v6  }
0xb0: {  	s19 =	simm.s32 $0x30;
	v9 =	vsub.f32 v9, v11;
	v8 =	vshrl.u32 v13, $0x1;
	v14 =	vmul.f32 $5.000000000e-01, v13  }
0xb1: {  	v15 =	vld [tilespmem:s19+$0x6000];
	v0 =	vadd.f32 v3, v0;
	v8 =	vsub.s32 $0x5F3759DF, v8;
	v1 =	vmul.f32 v1, v4  }
0xb2: {  	v3 =	vld [tilespmem:s19+$0x8000];
	v2 =	vsub.f32 v12, v2;
	v11 =	vmul.f32 v8, v14;
	v7 =	vadd.f32 v7, v9  }
0xb3: {  	v12 =	vld [tilespmem:s19+$0x5000];
	v0 =	vmul.f32 v0, v0;
	v1 =	vsub.f32 $1.500000000e+00, v1  }
0xb4: {  	v2 =	vadd.f32 v5, v2;
	v9 =	vld [tilespmem:s19+$0x9000];
	v11 =	vmul.f32 v8, v11;
	v5 =	vmul.f32 v7, v7  }
0xb5: {  	v4 =	vmul.f32 v1, v4  }
0xb6: {  	v2 =	vmul.f32 v2, v2;
	v1 =	vsub.f32 $1.500000000e+00, v11;
	v11 =	vld [tilespmem:s19+$0xA000];
	v0 =	vadd.f32 v5, v0  }
0xb7: {  	v5 =	vmul.f32 v4, v6;
	v6 =	vld [tilespmem:s19+$0x7000]  }
0xb8: {  	v8 =	vmul.f32 v8, v1;
	v0 =	vadd.f32 v2, v0  }
0xb9: {  	v16 =	vld [tilespmem:s19+$0x3000];
	v9 =	vsub.f32 v9, v15;
	v2 =	vsub.f32 v3, v12;
	v3 =	vmul.f32 v5, v4  }
0xba: {  	v7 =	vld [tilespmem:s19+$0x2000];
	v5 =	vmul.f32 v8, v14;
	v15 =	vshrl.u32 v0, $0x1;
	v1 =	vmul.f32 $5.000000000e-01, v0  }
0xbb: {  	v3 =	vsub.f32 $1.500000000e+00, v3;
	v15 =	vsub.s32 $0x5F3759DF, v15  }
0xbc: {  	v12 =	vld [tilespmem:s19+$0x4000];
	v5 =	vmul.f32 v5, v8;
	v6 =	vsub.f32 v11, v6;
	v11 =	vmul.f32 v15, v1  }
0xbd: {  	s23 =	simm.s32 $0x40  }
0xbe: {  	v17 =	vld [tilespmem:s23+$0x6000];
	v3 =	vmul.f32 v3, v4;
	v5 =	vsub.f32 $1.500000000e+00, v5;
	v11 =	vmul.f32 v15, v11  }
0xbf: {  	v9 =	vadd.f32 v16, v9;
	v16 =	vld [tilespmem:s23+$0x9000];
	v2 =	vadd.f32 v7, v2  }
0xc0: {  	v7 =	vld [tilespmem:s23+$0x8000];
	v8 =	vmul.f32 v5, v8;
	v3 =	vmul.f32 v3, v10;
	v5 =	vsub.f32 $1.500000000e+00, v11  }
0xc1: {  	v9 =	vmul.f32 v9, v9;
	v2 =	vmul.f32 v2, v2;
	v4 =	vld [tilespmem:s23+$0x5000];
	v6 =	vadd.f32 v12, v6  }
0xc2: {  	v12 =	vld [tilespmem:s23+$0x7000];
	v18 =	vmul.f32 v15, v5;
	v5 =	vmul.f32 $-2.000000000e+00, v3  }
0xc3: {  	v2 =	vadd.f32 v9, v2;
	v10 =	vld [tilespmem:s23+$0x2000];
	v6 =	vmul.f32 v6, v6;
	v9 =	vmul.f32 v8, v14  }
0xc4: {  	v11 =	vld [tilespmem:s23+$0xA000];
	v15 =	vsub.f32 v16, v17;
	v17 =	vmul.f32 $1.442695020e+00, v5  }
0xc5: {  	v14 =	vld [tilespmem:s23+$0x3000];
	v2 =	vadd.f32 v6, v2;
	v6 =	vmul.f32 v9, v8  }
0xc6: {  	v4 =	vsub.f32 v7, v4;
	v7 =	vmul.f32 v18, v1;
	(erf) = vpow2.f32 v17  }
0xc7: {  	v16 =	vld [tilespmem:s23+$0x4000];
	v9 =	vshrl.u32 v2, $0x1;
	v3 =	vmul.f32 $5.000000000e-01, v2;
	v6 =	vsub.f32 $1.500000000e+00, v6  }
0xc8: {  	s24 =	simm.s32 $0x50;
	v4 =	vadd.f32 v10, v4;
	v5 =	vsub.s32 $0x5F3759DF, v9;
	v19 =	vmul.f32 v7, v18  }
0xc9: {  	v9 =	vld [tilespmem:s24+$0x5000];
	v10 =	vmul.f32 v5, v3;
	v17 =	vsub.f32 v11, v12;
	v6 =	vmul.f32 v6, v8  }
0xca: {  	v7 =	vld [tilespmem:s24+$0x8000];
	v15 =	vadd.f32 v14, v15;
	v12 =	vmul.f32 v4, v4;
	v19 =	vsub.f32 $1.500000000e+00, v19  }
0xcb: {  	v11 =	vld [tilespmem:s24+$0x6000];
	v20 =	vmul.f32 v5, v10;
	v6 =	vmul.f32 v6, v13  }
0xcc: {  	v8 =	vld [tilespmem:s24+$0x9000];
	v14 =	vadd.f32 v16, v17;
	v15 =	vmul.f32 v15, v15;
	v4 =	vmul.f32 v19, v18  }
0xcd: {  	s25 =	simm.s32 $0x180;
	v10 =	vld [tilespmem:s24+$0x2000];
	v13 =	vsub.f32 $1.500000000e+00, v20;
	v6 =	vmul.f32 $-2.000000000e+00, v6  }
.LBB2_3:
0xce: {  	p0 =	sne.s32 s25, $0x3E40;
	v16 =	vld [tilespmem:s24+$0xA000];
	v12 =	vadd.f32 v15, v12;
	v14 =	vmul.f32 v14, v14;
	v15 =	vmul.f32 v4, v1;
	v1 =	vmovc v3  }
0xcf: {  	v17 =	vld [tilespmem:s24+$0x7000];
	v13 =	vmul.f32 v5, v13;
	v3 =	vmul.f32 $1.442695020e+00, v6;
	v5 =	vpop (erf)  }
0xd0: {  	v6 =	vsub.f32 v7, v9;
	v18 =	vld [tilespmem:s24+$0x3000];
	v14 =	vadd.f32 v14, v12;
	v7 =	vmul.f32 v15, v4;
	[tilespmem:s22+$0xB000] =	vst v5;
	s22 =	smov.u32 s14;
	s14 =	smov.u32 s18;
	s18 =	smov.u32 s19  }
0xd1: {  	s19 =	smov.u32 s23;
	s23 =	smov.u32 s24;
	v8 =	vsub.f32 v8, v11;
	v9 =	vmul.f32 v13, v1;
	(erf) = vpow2.f32 v3  }
0xd2: {  	v15 =	vld [tilespmem:s23+$0x4000];
	v5 =	vshrl.u32 v14, $0x1;
	v3 =	vmul.f32 $5.000000000e-01, v14;
	v11 =	vsub.f32 $1.500000000e+00, v7  }
0xd3: {  	s24 =	sshra.s32 s25, $0x2;
	v6 =	vadd.f32 v10, v6;
	v5 =	vsub.s32 $0x5F3759DF, v5;
	v10 =	vmul.f32 v9, v13  }
.Ltmp0:
0xd4: {  	v7 =	vld [tilespmem:s24+$0x8000];
	v16 =	vsub.f32 v16, v17;
	v17 =	vmul.f32 v5, v3;
	v4 =	vmul.f32 v11, v4;
	(pc) =	sbr.rel @p0 .LBB2_3-.Ltmp0, $4  }
0xd5: {  	v12 =	vmul.f32 v6, v6;
	v9 =	vld [tilespmem:s24+$0x5000];
	v18 =	vadd.f32 v18, v8;
	v6 =	vsub.f32 $1.500000000e+00, v10  }
0xd6: {  	v8 =	vld [tilespmem:s24+$0x9000];
	v17 =	vmul.f32 v5, v17;
	v19 =	vmul.f32 v4, v0;
	v0 =	vmovc v2;
	v2 =	vmov v14  }
0xd7: {  	v11 =	vld [tilespmem:s24+$0x6000];
	v14 =	vadd.f32 v15, v16;
	v15 =	vmul.f32 v18, v18;
	v4 =	vmul.f32 v6, v13  }
0xd8: {  	s25 =	sadd.s32 $0x40, s25;
	v10 =	vld [tilespmem:s24+$0x2000];
	v13 =	vsub.f32 $1.500000000e+00, v17;
	v6 =	vmul.f32 $-2.000000000e+00, v19  }
0xd9: {  	v16 =	vld [tilespmem:s24+$0xA000]  }
0xda: {  	v17 =	vld [tilespmem:s24+$0x7000]  }
0xdb: {  	v19 =	vld [tilespmem:s24+$0x3000];
	v18 =	vpop (erf)  }
0xdc: {  	[tilespmem:s22+$0xB000] =	vst v18  }
0xdd: {  	v7 =	vsub.f32 v7, v9;
	v9 =	vld [tilespmem:s24+$0x4000]  }
0xde: {  	v8 =	vsub.f32 v8, v11  }
0xdf: {  	v7 =	vadd.f32 v10, v7  }
0xe0: {  	v10 =	vsub.f32 v16, v17;
	v8 =	vadd.f32 v19, v8;
	_ =	sdelay $0x1  }
0xe1: {  	v7 =	vmul.f32 v7, v7;
	v8 =	vmul.f32 v8, v8;
	v9 =	vadd.f32 v9, v10  }
0xe2: {  	v11 =	vmul.f32 v14, v14;
	v10 =	vadd.f32 v15, v12  }
0xe3: {  	v7 =	vadd.f32 v8, v7;
	v8 =	vmul.f32 v9, v9  }
0xe4: {  	v9 =	vadd.f32 v11, v10  }
0xe5: {  	v7 =	vadd.f32 v8, v7  }
0xe6: {  	v8 =	vshrl.u32 v9, $0x1;
	v10 =	vmul.f32 $5.000000000e-01, v9  }
0xe7: {  	v8 =	vsub.s32 $0x5F3759DF, v8;
	v11 =	vshrl.u32 v7, $0x1;
	v12 =	vmul.f32 $5.000000000e-01, v7  }
0xe8: {  	v14 =	vmul.f32 v8, v10;
	v11 =	vsub.s32 $0x5F3759DF, v11  }
0xe9: {  	v15 =	vmul.f32 v11, v12  }
0xea: {  	v14 =	vmul.f32 v8, v14  }
0xeb: {  	v15 =	vmul.f32 v11, v15  }
0xec: {  	v14 =	vsub.f32 $1.500000000e+00, v14  }
0xed: {  	v5 =	vmul.f32 v5, v13;
	v13 =	vsub.f32 $1.500000000e+00, v15  }
0xee: {  	v8 =	vmul.f32 v8, v14  }
0xef: {  	v14 =	vmul.f32 v5, v3;
	v11 =	vmul.f32 v11, v13  }
0xf0: {  	v13 =	vmul.f32 v8, v10  }
0xf1: {  	v14 =	vmul.f32 v14, v5;
	v15 =	vmul.f32 v11, v12  }
0xf2: {  	v13 =	vmul.f32 v13, v8  }
0xf3: {  	v14 =	vsub.f32 $1.500000000e+00, v14;
	v15 =	vmul.f32 v15, v11  }
0xf4: {  	v13 =	vsub.f32 $1.500000000e+00, v13  }
0xf5: {  	v5 =	vmul.f32 v14, v5;
	v14 =	vsub.f32 $1.500000000e+00, v15  }
0xf6: {  	v1 =	vmul.f32 v4, v1;
	v8 =	vmul.f32 v13, v8  }
0xf7: {  	v3 =	vmul.f32 v5, v3;
	v11 =	vmul.f32 v14, v11  }
0xf8: {  	v1 =	vmul.f32 v1, v4;
	v10 =	vmul.f32 v8, v10  }
0xf9: {  	v3 =	vmul.f32 v3, v5;
	v12 =	vmul.f32 v11, v12  }
0xfa: {  	v1 =	vsub.f32 $1.500000000e+00, v1;
	v10 =	vmul.f32 v10, v8  }
0xfb: {  	v6 =	vmul.f32 $1.442695020e+00, v6;
	v3 =	vsub.f32 $1.500000000e+00, v3;
	v12 =	vmul.f32 v12, v11  }
0xfc: {  	v1 =	vmul.f32 v1, v4;
	v4 =	vsub.f32 $1.500000000e+00, v10  }
0xfd: {  	(erf) = vpow2.f32 v6;
	v3 =	vmul.f32 v3, v5;
	v5 =	vsub.f32 $1.500000000e+00, v12  }
0xfe: {  	v0 =	vmul.f32 v1, v0;
	v1 =	vmul.f32 v4, v8  }
0xff: {  	v2 =	vmul.f32 v3, v2;
	v3 =	vmul.f32 v5, v11  }
0x100: {  	v0 =	vmul.f32 $-2.000000000e+00, v0;
	v1 =	vmul.f32 v1, v9  }
0x101: {  	v2 =	vmul.f32 $-2.000000000e+00, v2;
	v3 =	vmul.f32 v3, v7  }
0x102: {  	v0 =	vmul.f32 $1.442695020e+00, v0;
	v1 =	vmul.f32 $-2.000000000e+00, v1  }
0x103: {  	v2 =	vmul.f32 $1.442695020e+00, v2;
	v3 =	vmul.f32 $-2.000000000e+00, v3  }
0x104: {  	(erf) = vpow2.f32 v0;
	v0 =	vmul.f32 $1.442695020e+00, v1  }
0x105: {  	(erf) = vpow2.f32 v2;
	v1 =	vmul.f32 $1.442695020e+00, v3  }
0x106: {  	(erf) = vpow2.f32 v0  }
0x107: {  	(erf) = vpow2.f32 v1;
	_ =	sdelay $0x4  }
0x108: {  	v0 =	vpop (erf)  }
0x109: {  	[tilespmem:s14+$0xB000] =	vst v0;
	v1 =	vpop (erf)  }
0x10a: {  	[tilespmem:s18+$0xB000] =	vst v1;
	v0 =	vpop (erf)  }
0x10b: {  	[tilespmem:s19+$0xB000] =	vst v0;
	v1 =	vpop (erf)  }
0x10c: {  	[tilespmem:s23+$0xB000] =	vst v1;
	v0 =	vpop (erf)  }
0x10d: {  	s14 =	smul.u32 $0x1F40, s12;
	s19 =	simm.s32 $0xB000;
	[tilespmem:s24+$0xB000] =	vst v0  }
0x10e: {  	[spmem:s4] =	stream.indirect.scatter.add.f32 [tilespmem:s19], [sflag:$0x5], $0x1, s16, s21, $0xb8;
	[tilespmem:$0x1E400] =	vst v63  }
0x10f: {  	s22 =	sadd.s32 s14, s29;
	_ =	swait.ge [sflag:s15], $0xFA0  }
0x110: {  	s18 =	sshrl.u32 s22, $0x3;
	[sflag:s15] =	ssyncset.done $0x0  }
0x111: {  	s22 =	simm.s32 $0x0;
	s23 =	sadd.s32 s7, s18;
	[sflag:s15] =	ssyncadd.s32 $0xFFFFF060  }
0x112: {  	[tilespmem:s22], [sflag:$0x1] =	stream.linear.gather [hbm4b:s23+s22], $0xFA0, $0x38;
	[tilespmem:$0x1E400] =	vst v63  }
0x113: {  	s24 =	sadd.s32 s8, s18  }
0x114: {  	[tilespmem:s16], [sflag:$0x1] =	stream.linear.gather [hbm4b:s24+s22], $0xFA0, $0x38;
	[tilespmem:$0x1E400] =	vst v63  }
0x115: {  	s26 =	simm.s32 $0x2000;
	s25 =	sadd.s32 s9, s18  }
0x116: {  	[tilespmem:s26], [sflag:$0x1] =	stream.linear.gather [hbm4b:s25+s22], $0xFA0, $0x38;
	[tilespmem:$0x1E400] =	vst v63  }
0x117: {  	s23 =	sadd.s32 s10, s18;
	s24 =	simm.s32 $0x3000  }
0x118: {  	[tilespmem:s24], [sflag:$0x1] =	stream.linear.gather [hbm4b:s23+s22], $0xFA0, $0x38;
	[tilespmem:$0x1E400] =	vst v63  }
0x119: {  	s18 =	sadd.s32 s11, s18;
	s25 =	simm.s32 $0x4000  }
0x11a: {  	[tilespmem:s25], [sflag:$0x1] =	stream.linear.gather [hbm4b:s18+s22], $0xFA0, $0x38;
	[tilespmem:$0x1E400] =	vst v63  }
0x11b: {  	_ =	swait.ge [sflag:s20], $0xFA0  }
0x11c: {  	[sflag:s20] =	ssyncset.done $0x0  }
0x11d: {  	[sflag:s20] =	ssyncadd.s32 $0xFFFFF060  }
0x11e: {  	_ =	swait.ge [sflag:s20], $0xFA0  }
0x11f: {  	[sflag:s20] =	ssyncset.done $0x0  }
0x120: {  	[sflag:s20] =	ssyncadd.s32 $0xFFFFF060  }
0x121: {  	_ =	swait.ge [sflag:s20], $0xFA0  }
0x122: {  	[sflag:s20] =	ssyncset.done $0x0  }
0x123: {  	[sflag:s20] =	ssyncadd.s32 $0xFFFFF060  }
0x124: {  	_ =	swait.ge [sflag:s20], $0xFA0  }
0x125: {  	[sflag:s20] =	ssyncset.done $0x0  }
0x126: {  	[sflag:s20] =	ssyncadd.s32 $0xFFFFF060  }
0x127: {  	_ =	swait.ge [sflag:s20], $0xFA0  }
0x128: {  	[sflag:s20] =	ssyncset.done $0x0  }
0x129: {  	[sflag:s20] =	ssyncadd.s32 $0xFFFFF060  }
0x12a: {  	_ =	swait.ge [sflag:s28], $0xFA0  }
0x12b: {  	[sflag:s28] =	ssyncset.done $0x0  }
0x12c: {  	[sflag:s28] =	ssyncadd.s32 $0xFFFFF060  }
0x12d: {  	_ =	swait.ge [sflag:s28], $0xFA0  }
0x12e: {  	[sflag:s28] =	ssyncset.done $0x0  }
0x12f: {  	[sflag:s28] =	ssyncadd.s32 $0xFFFFF060  }
0x130: {  	_ =	swait.ge [sflag:s28], $0xFA0  }
0x131: {  	[sflag:s28] =	ssyncset.done $0x0  }
0x132: {  	[sflag:s28] =	ssyncadd.s32 $0xFFFFF060  }
0x133: {  	_ =	swait.ge [sflag:s28], $0xFA0  }
0x134: {  	[sflag:s28] =	ssyncset.done $0x0  }
0x135: {  	[sflag:s28] =	ssyncadd.s32 $0xFFFFF060  }
0x136: {  	_ =	swait.ge [sflag:s28], $0xFA0  }
0x137: {  	[sflag:s28] =	ssyncset.done $0x0  }
0x138: {  	[sflag:s28] =	ssyncadd.s32 $0xFFFFF060  }
0x139: {  	_ =	swait.ge [sflag:s28], $0xFA0  }
0x13a: {  	[sflag:s28] =	ssyncset.done $0x0  }
0x13b: {  	s26 =	simm.s32 $0x5000;
	[sflag:s28] =	ssyncadd.s32 $0xFFFFF060  }
0x13c: {  	[tilespmem:s26], [sflag:$0x3] =	stream.indirect.gather [spmem:s1], $0x1, s22, s21, $0xb8;
	[tilespmem:$0x1E400] =	vst v63  }
0x13d: {  	s19 =	simm.s32 $0x6000  }
0x13e: {  	[tilespmem:s19], [sflag:$0x3] =	stream.indirect.gather [spmem:s2], $0x1, s22, s21, $0xb8;
	[tilespmem:$0x1E400] =	vst v63  }
0x13f: {  	s23 =	simm.s32 $0x7000  }
0x140: {  	[tilespmem:s23], [sflag:$0x3] =	stream.indirect.gather [spmem:s3], $0x1, s22, s21, $0xb8;
	[tilespmem:$0x1E400] =	vst v63  }
0x141: {  	s24 =	simm.s32 $0x8000  }
0x142: {  	[tilespmem:s24], [sflag:$0x3] =	stream.indirect.gather [spmem:s1], $0x1, s16, s21, $0xb8;
	[tilespmem:$0x1E400] =	vst v63  }
0x143: {  	s25 =	simm.s32 $0x9000  }
0x144: {  	[tilespmem:s25], [sflag:$0x3] =	stream.indirect.gather [spmem:s2], $0x1, s16, s21, $0xb8;
	[tilespmem:$0x1E400] =	vst v63  }
0x145: {  	s26 =	simm.s32 $0xA000;
	s23 =	simm.s32 $0x0  }
0x146: {  	[tilespmem:s26], [sflag:$0x3] =	stream.indirect.gather [spmem:s3], $0x1, s16, s21, $0xb8;
	[tilespmem:$0x1E400] =	vst v63  }
0x147: {  	v0 =	vld [tilespmem:s23+$0x14000]  }
0x148: {  	v1 =	vld [tilespmem:s23+$0x11000]  }
0x149: {  	v2 =	vld [tilespmem:s23+$0x15000]  }
0x14a: {  	v3 =	vld [tilespmem:s23+$0x12000]  }
0x14b: {  	v4 =	vld [tilespmem:s23+$0xE000]  }
0x14c: {  	v5 =	vld [tilespmem:s23+$0x16000]  }
0x14d: {  	v6 =	vld [tilespmem:s23+$0x13000]  }
0x14e: {  	v7 =	vld [tilespmem:s23+$0xF000];
	_ =	sdelay $0x1  }
0x14f: {  	v0 =	vsub.f32 v0, v1;
	v1 =	vld [tilespmem:s23+$0x10000]  }
0x150: {  	s18 =	simm.s32 $0x10;
	v2 =	vsub.f32 v2, v3  }
0x151: {  	v8 =	vld [tilespmem:s18+$0x16000];
	v5 =	vsub.f32 v5, v6  }
0x152: {  	v3 =	vld [tilespmem:s18+$0x14000];
	v0 =	vadd.f32 v4, v0;
	v2 =	vadd.f32 v7, v2  }
0x153: {  	v6 =	vld [tilespmem:s18+$0x15000]  }
0x154: {  	v4 =	vld [tilespmem:s18+$0x11000];
	v0 =	vmul.f32 v0, v0;
	v2 =	vmul.f32 v2, v2;
	v1 =	vadd.f32 v1, v5  }
0x155: {  	v7 =	vld [tilespmem:s18+$0x12000]  }
0x156: {  	v9 =	vld [tilespmem:s18+$0xF000];
	v0 =	vadd.f32 v2, v0;
	v1 =	vmul.f32 v1, v1  }
0x157: {  	v5 =	vld [tilespmem:s18+$0xE000]  }
0x158: {  	v2 =	vld [tilespmem:s18+$0x13000];
	v10 =	vadd.f32 v1, v0  }
0x159: {  	v0 =	vsub.f32 v3, v4  }
0x15a: {  	s19 =	simm.s32 $0x20;
	v1 =	vld [tilespmem:s18+$0x10000];
	v3 =	vsub.f32 v6, v7;
	v4 =	vshrl.u32 v10, $0x1;
	v6 =	vmul.f32 $5.000000000e-01, v10  }
0x15b: {  	v11 =	vld [tilespmem:s19+$0x12000];
	v4 =	vsub.s32 $0x5F3759DF, v4  }
0x15c: {  	v12 =	vld [tilespmem:s19+$0x16000];
	v0 =	vadd.f32 v5, v0;
	v7 =	vmul.f32 v4, v6  }
0x15d: {  	v5 =	vld [tilespmem:s19+$0x14000];
	v2 =	vsub.f32 v8, v2;
	v3 =	vadd.f32 v9, v3  }
0x15e: {  	v8 =	vld [tilespmem:s19+$0x11000];
	v7 =	vmul.f32 v4, v7  }
0x15f: {  	v9 =	vld [tilespmem:s19+$0x15000];
	v0 =	vmul.f32 v0, v0;
	v1 =	vadd.f32 v1, v2;
	v2 =	vmul.f32 v3, v3  }
0x160: {  	v3 =	vld [tilespmem:s19+$0xE000];
	v7 =	vsub.f32 $1.500000000e+00, v7  }
0x161: {  	v0 =	vadd.f32 v2, v0;
	v1 =	vmul.f32 v1, v1;
	v2 =	vld [tilespmem:s19+$0x13000]  }
0x162: {  	v4 =	vmul.f32 v4, v7;
	v7 =	vld [tilespmem:s19+$0xF000]  }
0x163: {  	v13 =	vadd.f32 v1, v0  }
0x164: {  	v0 =	vsub.f32 v5, v8;
	v5 =	vld [tilespmem:s19+$0x10000];
	v1 =	vmul.f32 v4, v6  }
0x165: {  	s22 =	simm.s32 $0x30;
	v9 =	vsub.f32 v9, v11;
	v8 =	vshrl.u32 v13, $0x1;
	v14 =	vmul.f32 $5.000000000e-01, v13  }
0x166: {  	v15 =	vld [tilespmem:s22+$0x12000];
	v0 =	vadd.f32 v3, v0;
	v8 =	vsub.s32 $0x5F3759DF, v8;
	v1 =	vmul.f32 v1, v4  }
0x167: {  	v3 =	vld [tilespmem:s22+$0x14000];
	v2 =	vsub.f32 v12, v2;
	v11 =	vmul.f32 v8, v14;
	v7 =	vadd.f32 v7, v9  }
0x168: {  	v12 =	vld [tilespmem:s22+$0x11000];
	v0 =	vmul.f32 v0, v0;
	v1 =	vsub.f32 $1.500000000e+00, v1  }
0x169: {  	v2 =	vadd.f32 v5, v2;
	v9 =	vld [tilespmem:s22+$0x15000];
	v11 =	vmul.f32 v8, v11;
	v5 =	vmul.f32 v7, v7  }
0x16a: {  	v4 =	vmul.f32 v1, v4  }
0x16b: {  	v2 =	vmul.f32 v2, v2;
	v1 =	vsub.f32 $1.500000000e+00, v11;
	v11 =	vld [tilespmem:s22+$0x16000];
	v0 =	vadd.f32 v5, v0  }
0x16c: {  	v5 =	vmul.f32 v4, v6;
	v6 =	vld [tilespmem:s22+$0x13000]  }
0x16d: {  	v8 =	vmul.f32 v8, v1;
	v0 =	vadd.f32 v2, v0  }
0x16e: {  	v16 =	vld [tilespmem:s22+$0xF000];
	v9 =	vsub.f32 v9, v15;
	v2 =	vsub.f32 v3, v12;
	v3 =	vmul.f32 v5, v4  }
0x16f: {  	v7 =	vld [tilespmem:s22+$0xE000];
	v5 =	vmul.f32 v8, v14;
	v15 =	vshrl.u32 v0, $0x1;
	v1 =	vmul.f32 $5.000000000e-01, v0  }
0x170: {  	v3 =	vsub.f32 $1.500000000e+00, v3;
	v15 =	vsub.s32 $0x5F3759DF, v15  }
0x171: {  	v12 =	vld [tilespmem:s22+$0x10000];
	v5 =	vmul.f32 v5, v8;
	v6 =	vsub.f32 v11, v6;
	v11 =	vmul.f32 v15, v1  }
0x172: {  	s24 =	simm.s32 $0x40  }
0x173: {  	v17 =	vld [tilespmem:s24+$0x12000];
	v3 =	vmul.f32 v3, v4;
	v5 =	vsub.f32 $1.500000000e+00, v5;
	v11 =	vmul.f32 v15, v11  }
0x174: {  	v9 =	vadd.f32 v16, v9;
	v16 =	vld [tilespmem:s24+$0x15000];
	v2 =	vadd.f32 v7, v2  }
0x175: {  	v7 =	vld [tilespmem:s24+$0x14000];
	v8 =	vmul.f32 v5, v8;
	v3 =	vmul.f32 v3, v10;
	v5 =	vsub.f32 $1.500000000e+00, v11  }
0x176: {  	v9 =	vmul.f32 v9, v9;
	v2 =	vmul.f32 v2, v2;
	v4 =	vld [tilespmem:s24+$0x11000];
	v6 =	vadd.f32 v12, v6  }
0x177: {  	v12 =	vld [tilespmem:s24+$0x13000];
	v62 =	vmul.f32 v15, v5;
	v5 =	vmul.f32 $-2.000000000e+00, v3  }
0x178: {  	v2 =	vadd.f32 v9, v2;
	v10 =	vld [tilespmem:s24+$0xE000];
	v6 =	vmul.f32 v6, v6;
	v9 =	vmul.f32 v8, v14  }
0x179: {  	v11 =	vld [tilespmem:s24+$0x16000];
	v15 =	vsub.f32 v16, v17;
	v17 =	vmul.f32 $1.442695020e+00, v5  }
0x17a: {  	v14 =	vld [tilespmem:s24+$0xF000];
	v2 =	vadd.f32 v6, v2;
	v6 =	vmul.f32 v9, v8  }
0x17b: {  	v4 =	vsub.f32 v7, v4;
	v7 =	vmul.f32 v62, v1;
	(erf) = vpow2.f32 v17  }
0x17c: {  	v16 =	vld [tilespmem:s24+$0x10000];
	v9 =	vshrl.u32 v2, $0x1;
	v3 =	vmul.f32 $5.000000000e-01, v2;
	v6 =	vsub.f32 $1.500000000e+00, v6  }
0x17d: {  	s25 =	simm.s32 $0x50;
	v4 =	vadd.f32 v10, v4;
	v5 =	vsub.s32 $0x5F3759DF, v9;
	v63 =	vmul.f32 v7, v62  }
0x17e: {  	v9 =	vld [tilespmem:s25+$0x11000];
	v10 =	vmul.f32 v5, v3;
	v17 =	vsub.f32 v11, v12;
	v6 =	vmul.f32 v6, v8  }
0x17f: {  	v7 =	vld [tilespmem:s25+$0x14000];
	v15 =	vadd.f32 v14, v15;
	v12 =	vmul.f32 v4, v4;
	v19 =	vsub.f32 $1.500000000e+00, v63  }
0x180: {  	v11 =	vld [tilespmem:s25+$0x12000];
	v20 =	vmul.f32 v5, v10;
	v6 =	vmul.f32 v6, v13  }
0x181: {  	v8 =	vld [tilespmem:s25+$0x15000];
	v14 =	vadd.f32 v16, v17;
	v15 =	vmul.f32 v15, v15;
	v4 =	vmul.f32 v19, v62  }
0x182: {  	s26 =	simm.s32 $0x180;
	v10 =	vld [tilespmem:s25+$0xE000];
	v13 =	vsub.f32 $1.500000000e+00, v20;
	v6 =	vmul.f32 $-2.000000000e+00, v6  }
.LBB2_5:
0x183: {  	p0 =	sne.s32 s26, $0x3E40;
	v16 =	vld [tilespmem:s25+$0x16000];
	v12 =	vadd.f32 v15, v12;
	v14 =	vmul.f32 v14, v14;
	v15 =	vmul.f32 v4, v1;
	v1 =	vmovc v3  }
0x184: {  	v17 =	vld [tilespmem:s25+$0x13000];
	v13 =	vmul.f32 v5, v13;
	v3 =	vmul.f32 $1.442695020e+00, v6;
	v5 =	vpop (erf)  }
0x185: {  	v6 =	vsub.f32 v7, v9;
	v18 =	vld [tilespmem:s25+$0xF000];
	v14 =	vadd.f32 v14, v12;
	v7 =	vmul.f32 v15, v4;
	[tilespmem:s23+$0x17000] =	vst v5;
	s23 =	smov.u32 s18;
	s18 =	smov.u32 s19;
	s19 =	smov.u32 s22  }
0x186: {  	s22 =	smov.u32 s24;
	s24 =	smov.u32 s25;
	v8 =	vsub.f32 v8, v11;
	v9 =	vmul.f32 v13, v1;
	(erf) = vpow2.f32 v3  }
0x187: {  	v15 =	vld [tilespmem:s24+$0x10000];
	v5 =	vshrl.u32 v14, $0x1;
	v3 =	vmul.f32 $5.000000000e-01, v14;
	v11 =	vsub.f32 $1.500000000e+00, v7  }
0x188: {  	s25 =	sshra.s32 s26, $0x2;
	v6 =	vadd.f32 v10, v6;
	v5 =	vsub.s32 $0x5F3759DF, v5;
	v10 =	vmul.f32 v9, v13  }
.Ltmp1:
0x189: {  	v7 =	vld [tilespmem:s25+$0x14000];
	v16 =	vsub.f32 v16, v17;
	v17 =	vmul.f32 v5, v3;
	v4 =	vmul.f32 v11, v4;
	(pc) =	sbr.rel @p0 .LBB2_5-.Ltmp1, $4  }
0x18a: {  	v12 =	vmul.f32 v6, v6;
	v9 =	vld [tilespmem:s25+$0x11000];
	v18 =	vadd.f32 v18, v8;
	v6 =	vsub.f32 $1.500000000e+00, v10  }
0x18b: {  	v8 =	vld [tilespmem:s25+$0x15000];
	v17 =	vmul.f32 v5, v17;
	v19 =	vmul.f32 v4, v0;
	v0 =	vmovc v2;
	v2 =	vmov v14  }
0x18c: {  	v11 =	vld [tilespmem:s25+$0x12000];
	v14 =	vadd.f32 v15, v16;
	v15 =	vmul.f32 v18, v18;
	v4 =	vmul.f32 v6, v13  }
0x18d: {  	s26 =	sadd.s32 $0x40, s26;
	v10 =	vld [tilespmem:s25+$0xE000];
	v13 =	vsub.f32 $1.500000000e+00, v17;
	v6 =	vmul.f32 $-2.000000000e+00, v19  }
0x18e: {  	v16 =	vld [tilespmem:s25+$0x16000]  }
0x18f: {  	v17 =	vld [tilespmem:s25+$0x13000]  }
0x190: {  	v19 =	vld [tilespmem:s25+$0xF000];
	v18 =	vpop (erf)  }
0x191: {  	[tilespmem:s23+$0x17000] =	vst v18  }
0x192: {  	v7 =	vsub.f32 v7, v9;
	v36 =	vld [tilespmem:s25+$0x10000]  }
0x193: {  	v8 =	vsub.f32 v8, v11  }
0x194: {  	v7 =	vadd.f32 v10, v7  }
0x195: {  	v37 =	vsub.f32 v16, v17;
	v8 =	vadd.f32 v19, v8;
	_ =	sdelay $0x1  }
0x196: {  	v7 =	vmul.f32 v7, v7;
	v8 =	vmul.f32 v8, v8;
	v9 =	vadd.f32 v36, v37  }
0x197: {  	v38 =	vadd.f32 v15, v12;
	v39 =	vmul.f32 v14, v14  }
0x198: {  	v7 =	vadd.f32 v8, v7;
	v40 =	vmul.f32 v9, v9  }
0x199: {  	v41 =	vadd.f32 v39, v38  }
0x19a: {  	v7 =	vadd.f32 v40, v7  }
0x19b: {  	v42 =	vshrl.u32 v41, $0x1;
	v10 =	vmul.f32 $5.000000000e-01, v41  }
0x19c: {  	v8 =	vsub.s32 $0x5F3759DF, v42;
	v43 =	vshrl.u32 v7, $0x1;
	v44 =	vmul.f32 $5.000000000e-01, v7  }
0x19d: {  	v45 =	vmul.f32 v8, v10;
	v11 =	vsub.s32 $0x5F3759DF, v43  }
0x19e: {  	v46 =	vmul.f32 v11, v44  }
0x19f: {  	v14 =	vmul.f32 v8, v45  }
0x1a0: {  	v15 =	vmul.f32 v11, v46  }
0x1a1: {  	v14 =	vsub.f32 $1.500000000e+00, v14  }
0x1a2: {  	v5 =	vmul.f32 v5, v13;
	v47 =	vsub.f32 $1.500000000e+00, v15  }
0x1a3: {  	v8 =	vmul.f32 v8, v14  }
0x1a4: {  	v48 =	vmul.f32 v5, v3;
	v11 =	vmul.f32 v11, v47  }
0x1a5: {  	v49 =	vmul.f32 v8, v10  }
0x1a6: {  	v14 =	vmul.f32 v48, v5;
	v50 =	vmul.f32 v11, v44  }
0x1a7: {  	v13 =	vmul.f32 v49, v8  }
0x1a8: {  	v14 =	vsub.f32 $1.500000000e+00, v14;
	v15 =	vmul.f32 v50, v11  }
0x1a9: {  	v13 =	vsub.f32 $1.500000000e+00, v13  }
0x1aa: {  	v5 =	vmul.f32 v14, v5;
	v51 =	vsub.f32 $1.500000000e+00, v15  }
0x1ab: {  	v1 =	vmul.f32 v4, v1;
	v8 =	vmul.f32 v13, v8  }
0x1ac: {  	v52 =	vmul.f32 v5, v3;
	v11 =	vmul.f32 v51, v11  }
0x1ad: {  	v1 =	vmul.f32 v1, v4;
	v10 =	vmul.f32 v8, v10  }
0x1ae: {  	v3 =	vmul.f32 v52, v5;
	v12 =	vmul.f32 v11, v44  }
0x1af: {  	v1 =	vsub.f32 $1.500000000e+00, v1;
	v10 =	vmul.f32 v10, v8  }
0x1b0: {  	v6 =	vmul.f32 $1.442695020e+00, v6;
	v3 =	vsub.f32 $1.500000000e+00, v3;
	v12 =	vmul.f32 v12, v11  }
0x1b1: {  	v1 =	vmul.f32 v1, v4;
	v53 =	vsub.f32 $1.500000000e+00, v10  }
0x1b2: {  	(erf) = vpow2.f32 v6;
	v3 =	vmul.f32 v3, v5;
	v54 =	vsub.f32 $1.500000000e+00, v12  }
0x1b3: {  	v0 =	vmul.f32 v1, v0;
	v55 =	vmul.f32 v53, v8  }
0x1b4: {  	v2 =	vmul.f32 v3, v2;
	v56 =	vmul.f32 v54, v11  }
0x1b5: {  	v0 =	vmul.f32 $-2.000000000e+00, v0;
	v1 =	vmul.f32 v55, v41  }
0x1b6: {  	v2 =	vmul.f32 $-2.000000000e+00, v2;
	v3 =	vmul.f32 v56, v7  }
0x1b7: {  	v0 =	vmul.f32 $1.442695020e+00, v0;
	v1 =	vmul.f32 $-2.000000000e+00, v1  }
0x1b8: {  	v2 =	vmul.f32 $1.442695020e+00, v2;
	v3 =	vmul.f32 $-2.000000000e+00, v3  }
0x1b9: {  	(erf) = vpow2.f32 v0;
	v57 =	vmul.f32 $1.442695020e+00, v1  }
0x1ba: {  	(erf) = vpow2.f32 v2;
	v58 =	vmul.f32 $1.442695020e+00, v3  }
0x1bb: {  	(erf) = vpow2.f32 v57  }
0x1bc: {  	(erf) = vpow2.f32 v58;
	_ =	sdelay $0x4  }
0x1bd: {  	v59 =	vpop (erf)  }
0x1be: {  	[tilespmem:s18+$0x17000] =	vst v59;
	v60 =	vpop (erf)  }
0x1bf: {  	[tilespmem:s19+$0x17000] =	vst v60;
	v61 =	vpop (erf)  }
0x1c0: {  	[tilespmem:s22+$0x17000] =	vst v61;
	v62 =	vpop (erf)  }
0x1c1: {  	[tilespmem:s24+$0x17000] =	vst v62;
	v63 =	vpop (erf)  }
0x1c2: {  	[tilespmem:s25+$0x17000] =	vst v63  }
0x1c3: {  	[spmem:s4] =	stream.indirect.scatter.add.f32 [tilespmem:s5], [sflag:$0x5], $0x1, s0, s21, $0xb8;
	[tilespmem:$0x1E400] =	vst v63  }
0x1c4: {  	s14 =	sadd.s32 s14, s30;
	_ =	swait.ge [sflag:s15], $0xFA0  }
0x1c5: {  	s14 =	sshrl.u32 s14, $0x3;
	[sflag:s15] =	ssyncset.done $0x0  }
0x1c6: {  	s26 =	sadd.s32 s7, s14;
	[sflag:s15] =	ssyncadd.s32 $0xFFFFF060  }
0x1c7: {  	[tilespmem:s31], [sflag:$0x2] =	stream.linear.gather [hbm4b:s26+s6], $0xFA0, $0x38;
	[tilespmem:$0x1E400] =	vst v63  }
0x1c8: {  	s12 =	sadd.s32 $0x1, s12;
	s19 =	sadd.s32 s8, s14  }
0x1c9: {  	[tilespmem:s0], [sflag:$0x2] =	stream.linear.gather [hbm4b:s19+s6], $0xFA0, $0x38;
	[tilespmem:$0x1E400] =	vst v63  }
0x1ca: {  	p0 =	sne.s32 s12, $0x18;
	s23 =	simm.s32 $0xE000;
	s22 =	sadd.s32 s9, s14  }
0x1cb: {  	[tilespmem:s23], [sflag:$0x2] =	stream.linear.gather [hbm4b:s22+s6], $0xFA0, $0x38;
	[tilespmem:$0x1E400] =	vst v63  }
.Ltmp2:
0x1cc: {  	_ = 	snop;
	(pc) =	sbr.rel @p0 .LBB2_2-.Ltmp2, $4  }
0x1cd: {  	s24 =	sadd.s32 s10, s14;
	s25 =	simm.s32 $0xF000  }
0x1ce: {  	[tilespmem:s25], [sflag:$0x2] =	stream.linear.gather [hbm4b:s24+s6], $0xFA0, $0x38;
	[tilespmem:$0x1E400] =	vst v63  }
0x1cf: {  	s14 =	sadd.s32 s11, s14;
	s26 =	simm.s32 $0x10000  }
0x1d0: {  	[tilespmem:s26], [sflag:$0x2] =	stream.linear.gather [hbm4b:s14+s6], $0xFA0, $0x38;
	[tilespmem:$0x1E400] =	vst v63  }
0x1d1: {  	_ =	swait.ge [sflag:s13], $0xFA0  }
0x1d2: {  	[sflag:s13] =	ssyncset.done $0x0  }
0x1d3: {  	[sflag:s13] =	ssyncadd.s32 $0xFFFFF060  }
0x1d4: {  	_ =	swait.ge [sflag:s13], $0xFA0  }
0x1d5: {  	[sflag:s13] =	ssyncset.done $0x0  }
0x1d6: {  	[sflag:s13] =	ssyncadd.s32 $0xFFFFF060  }
0x1d7: {  	_ =	swait.ge [sflag:s13], $0xFA0  }
0x1d8: {  	[sflag:s13] =	ssyncset.done $0x0  }
0x1d9: {  	[sflag:s13] =	ssyncadd.s32 $0xFFFFF060  }
0x1da: {  	_ =	swait.ge [sflag:s13], $0xFA0  }
0x1db: {  	[sflag:s13] =	ssyncset.done $0x0  }
0x1dc: {  	[sflag:s13] =	ssyncadd.s32 $0xFFFFF060  }
0x1dd: {  	_ =	swait.ge [sflag:s13], $0xFA0  }
0x1de: {  	[sflag:s13] =	ssyncset.done $0x0  }
0x1df: {  	[sflag:s13] =	ssyncadd.s32 $0xFFFFF060  }
0x1e0: {  	_ =	swait.ge [sflag:s17], $0xFA0  }
0x1e1: {  	[sflag:s17] =	ssyncset.done $0x0  }
0x1e2: {  	[sflag:s17] =	ssyncadd.s32 $0xFFFFF060  }
0x1e3: {  	_ =	swait.ge [sflag:s17], $0xFA0  }
0x1e4: {  	[sflag:s17] =	ssyncset.done $0x0  }
0x1e5: {  	[sflag:s17] =	ssyncadd.s32 $0xFFFFF060  }
0x1e6: {  	_ =	swait.ge [sflag:s17], $0xFA0  }
0x1e7: {  	[sflag:s17] =	ssyncset.done $0x0  }
0x1e8: {  	[sflag:s17] =	ssyncadd.s32 $0xFFFFF060  }
0x1e9: {  	_ =	swait.ge [sflag:s17], $0xFA0  }
0x1ea: {  	[sflag:s17] =	ssyncset.done $0x0  }
0x1eb: {  	[sflag:s17] =	ssyncadd.s32 $0xFFFFF060  }
0x1ec: {  	_ =	swait.ge [sflag:s17], $0xFA0  }
0x1ed: {  	[sflag:s17] =	ssyncset.done $0x0  }
0x1ee: {  	[sflag:s17] =	ssyncadd.s32 $0xFFFFF060  }
0x1ef: {  	_ =	swait.ge [sflag:s17], $0xFA0  }
0x1f0: {  	[sflag:s17] =	ssyncset.done $0x0  }
0x1f1: {  	s12 =	simm.s32 $0x11000;
	[sflag:s17] =	ssyncadd.s32 $0xFFFFF060  }
0x1f2: {  	[tilespmem:s12], [sflag:$0x4] =	stream.indirect.gather [spmem:s1], $0x1, s31, s21, $0xb8;
	[tilespmem:$0x1E400] =	vst v63  }
0x1f3: {  	s22 =	simm.s32 $0x12000  }
0x1f4: {  	[tilespmem:s22], [sflag:$0x4] =	stream.indirect.gather [spmem:s2], $0x1, s31, s21, $0xb8;
	[tilespmem:$0x1E400] =	vst v63  }
0x1f5: {  	s23 =	simm.s32 $0x13000  }
0x1f6: {  	[tilespmem:s23], [sflag:$0x4] =	stream.indirect.gather [spmem:s3], $0x1, s31, s21, $0xb8;
	[tilespmem:$0x1E400] =	vst v63  }
0x1f7: {  	s24 =	simm.s32 $0x14000  }
0x1f8: {  	[tilespmem:s24], [sflag:$0x4] =	stream.indirect.gather [spmem:s1], $0x1, s0, s21, $0xb8;
	[tilespmem:$0x1E400] =	vst v63  }
0x1f9: {  	s25 =	simm.s32 $0x15000  }
0x1fa: {  	[tilespmem:s25], [sflag:$0x4] =	stream.indirect.gather [spmem:s2], $0x1, s0, s21, $0xb8;
	[tilespmem:$0x1E400] =	vst v63  }
0x1fb: {  	s26 =	simm.s32 $0x16000;
	s19 =	simm.s32 $0x0  }
0x1fc: {  	[tilespmem:s26], [sflag:$0x4] =	stream.indirect.gather [spmem:s3], $0x1, s0, s21, $0xb8;
	[tilespmem:$0x1E400] =	vst v63  }
0x1fd: {  	v0 =	vld [tilespmem:s19+$0x8000]  }
0x1fe: {  	v1 =	vld [tilespmem:s19+$0x5000]  }
0x1ff: {  	v2 =	vld [tilespmem:s19+$0x9000]  }
0x200: {  	v3 =	vld [tilespmem:s19+$0x6000]  }
0x201: {  	v4 =	vld [tilespmem:s19+$0x2000]  }
0x202: {  	v5 =	vld [tilespmem:s19+$0xA000]  }
0x203: {  	v6 =	vld [tilespmem:s19+$0x7000]  }
0x204: {  	v7 =	vld [tilespmem:s19+$0x3000];
	_ =	sdelay $0x1  }
0x205: {  	v0 =	vsub.f32 v0, v1;
	v1 =	vld [tilespmem:s19+$0x4000]  }
0x206: {  	s12 =	simm.s32 $0x10;
	v2 =	vsub.f32 v2, v3  }
0x207: {  	v8 =	vld [tilespmem:s12+$0xA000];
	v5 =	vsub.f32 v5, v6  }
0x208: {  	v3 =	vld [tilespmem:s12+$0x8000];
	v0 =	vadd.f32 v4, v0;
	v2 =	vadd.f32 v7, v2  }
0x209: {  	v6 =	vld [tilespmem:s12+$0x9000]  }
0x20a: {  	v4 =	vld [tilespmem:s12+$0x5000];
	v0 =	vmul.f32 v0, v0;
	v2 =	vmul.f32 v2, v2;
	v1 =	vadd.f32 v1, v5  }
0x20b: {  	v7 =	vld [tilespmem:s12+$0x6000]  }
0x20c: {  	v9 =	vld [tilespmem:s12+$0x3000];
	v0 =	vadd.f32 v2, v0;
	v1 =	vmul.f32 v1, v1  }
0x20d: {  	v5 =	vld [tilespmem:s12+$0x2000]  }
0x20e: {  	v2 =	vld [tilespmem:s12+$0x7000];
	v10 =	vadd.f32 v1, v0  }
0x20f: {  	v0 =	vsub.f32 v3, v4  }
0x210: {  	s14 =	simm.s32 $0x20;
	v1 =	vld [tilespmem:s12+$0x4000];
	v3 =	vsub.f32 v6, v7;
	v4 =	vshrl.u32 v10, $0x1;
	v6 =	vmul.f32 $5.000000000e-01, v10  }
0x211: {  	v11 =	vld [tilespmem:s14+$0x6000];
	v4 =	vsub.s32 $0x5F3759DF, v4  }
0x212: {  	v12 =	vld [tilespmem:s14+$0xA000];
	v0 =	vadd.f32 v5, v0;
	v7 =	vmul.f32 v4, v6  }
0x213: {  	v5 =	vld [tilespmem:s14+$0x8000];
	v2 =	vsub.f32 v8, v2;
	v3 =	vadd.f32 v9, v3  }
0x214: {  	v8 =	vld [tilespmem:s14+$0x5000];
	v7 =	vmul.f32 v4, v7  }
0x215: {  	v9 =	vld [tilespmem:s14+$0x9000];
	v0 =	vmul.f32 v0, v0;
	v1 =	vadd.f32 v1, v2;
	v2 =	vmul.f32 v3, v3  }
0x216: {  	v3 =	vld [tilespmem:s14+$0x2000];
	v7 =	vsub.f32 $1.500000000e+00, v7  }
0x217: {  	v0 =	vadd.f32 v2, v0;
	v1 =	vmul.f32 v1, v1;
	v2 =	vld [tilespmem:s14+$0x7000]  }
0x218: {  	v4 =	vmul.f32 v4, v7;
	v7 =	vld [tilespmem:s14+$0x3000]  }
0x219: {  	v13 =	vadd.f32 v1, v0  }
0x21a: {  	v0 =	vsub.f32 v5, v8;
	v5 =	vld [tilespmem:s14+$0x4000];
	v1 =	vmul.f32 v4, v6  }
0x21b: {  	s18 =	simm.s32 $0x30;
	v9 =	vsub.f32 v9, v11;
	v8 =	vshrl.u32 v13, $0x1;
	v14 =	vmul.f32 $5.000000000e-01, v13  }
0x21c: {  	v15 =	vld [tilespmem:s18+$0x6000];
	v0 =	vadd.f32 v3, v0;
	v8 =	vsub.s32 $0x5F3759DF, v8;
	v1 =	vmul.f32 v1, v4  }
0x21d: {  	v3 =	vld [tilespmem:s18+$0x8000];
	v2 =	vsub.f32 v12, v2;
	v11 =	vmul.f32 v8, v14;
	v7 =	vadd.f32 v7, v9  }
0x21e: {  	v12 =	vld [tilespmem:s18+$0x5000];
	v0 =	vmul.f32 v0, v0;
	v1 =	vsub.f32 $1.500000000e+00, v1  }
0x21f: {  	v2 =	vadd.f32 v5, v2;
	v9 =	vld [tilespmem:s18+$0x9000];
	v11 =	vmul.f32 v8, v11;
	v5 =	vmul.f32 v7, v7  }
0x220: {  	v4 =	vmul.f32 v1, v4  }
0x221: {  	v2 =	vmul.f32 v2, v2;
	v1 =	vsub.f32 $1.500000000e+00, v11;
	v11 =	vld [tilespmem:s18+$0xA000];
	v0 =	vadd.f32 v5, v0  }
0x222: {  	v5 =	vmul.f32 v4, v6;
	v6 =	vld [tilespmem:s18+$0x7000]  }
0x223: {  	v8 =	vmul.f32 v8, v1;
	v0 =	vadd.f32 v2, v0  }
0x224: {  	v16 =	vld [tilespmem:s18+$0x3000];
	v9 =	vsub.f32 v9, v15;
	v2 =	vsub.f32 v3, v12;
	v3 =	vmul.f32 v5, v4  }
0x225: {  	v7 =	vld [tilespmem:s18+$0x2000];
	v5 =	vmul.f32 v8, v14;
	v15 =	vshrl.u32 v0, $0x1;
	v1 =	vmul.f32 $5.000000000e-01, v0  }
0x226: {  	v3 =	vsub.f32 $1.500000000e+00, v3;
	v15 =	vsub.s32 $0x5F3759DF, v15  }
0x227: {  	v12 =	vld [tilespmem:s18+$0x4000];
	v5 =	vmul.f32 v5, v8;
	v6 =	vsub.f32 v11, v6;
	v11 =	vmul.f32 v15, v1  }
0x228: {  	s22 =	simm.s32 $0x40  }
0x229: {  	v17 =	vld [tilespmem:s22+$0x6000];
	v3 =	vmul.f32 v3, v4;
	v5 =	vsub.f32 $1.500000000e+00, v5;
	v11 =	vmul.f32 v15, v11  }
0x22a: {  	v9 =	vadd.f32 v16, v9;
	v16 =	vld [tilespmem:s22+$0x9000];
	v2 =	vadd.f32 v7, v2  }
0x22b: {  	v7 =	vld [tilespmem:s22+$0x8000];
	v8 =	vmul.f32 v5, v8;
	v3 =	vmul.f32 v3, v10;
	v5 =	vsub.f32 $1.500000000e+00, v11  }
0x22c: {  	v9 =	vmul.f32 v9, v9;
	v2 =	vmul.f32 v2, v2;
	v4 =	vld [tilespmem:s22+$0x5000];
	v6 =	vadd.f32 v12, v6  }
0x22d: {  	v12 =	vld [tilespmem:s22+$0x7000];
	v18 =	vmul.f32 v15, v5;
	v5 =	vmul.f32 $-2.000000000e+00, v3  }
0x22e: {  	v2 =	vadd.f32 v9, v2;
	v10 =	vld [tilespmem:s22+$0x2000];
	v6 =	vmul.f32 v6, v6;
	v9 =	vmul.f32 v8, v14  }
0x22f: {  	v11 =	vld [tilespmem:s22+$0xA000];
	v15 =	vsub.f32 v16, v17;
	v17 =	vmul.f32 $1.442695020e+00, v5  }
0x230: {  	v14 =	vld [tilespmem:s22+$0x3000];
	v2 =	vadd.f32 v6, v2;
	v6 =	vmul.f32 v9, v8  }
0x231: {  	v4 =	vsub.f32 v7, v4;
	v7 =	vmul.f32 v18, v1;
	(erf) = vpow2.f32 v17  }
0x232: {  	v16 =	vld [tilespmem:s22+$0x4000];
	v9 =	vshrl.u32 v2, $0x1;
	v3 =	vmul.f32 $5.000000000e-01, v2;
	v6 =	vsub.f32 $1.500000000e+00, v6  }
0x233: {  	s23 =	simm.s32 $0x50;
	v4 =	vadd.f32 v10, v4;
	v5 =	vsub.s32 $0x5F3759DF, v9;
	v19 =	vmul.f32 v7, v18  }
0x234: {  	v9 =	vld [tilespmem:s23+$0x5000];
	v10 =	vmul.f32 v5, v3;
	v17 =	vsub.f32 v11, v12;
	v6 =	vmul.f32 v6, v8  }
0x235: {  	v7 =	vld [tilespmem:s23+$0x8000];
	v15 =	vadd.f32 v14, v15;
	v12 =	vmul.f32 v4, v4;
	v19 =	vsub.f32 $1.500000000e+00, v19  }
0x236: {  	v11 =	vld [tilespmem:s23+$0x6000];
	v20 =	vmul.f32 v5, v10;
	v6 =	vmul.f32 v6, v13  }
0x237: {  	v8 =	vld [tilespmem:s23+$0x9000];
	v14 =	vadd.f32 v16, v17;
	v15 =	vmul.f32 v15, v15;
	v4 =	vmul.f32 v19, v18  }
0x238: {  	s24 =	simm.s32 $0x180;
	v10 =	vld [tilespmem:s23+$0x2000];
	v13 =	vsub.f32 $1.500000000e+00, v20;
	v6 =	vmul.f32 $-2.000000000e+00, v6  }
.LBB2_8:
0x239: {  	p0 =	sne.s32 s24, $0x3E40;
	v16 =	vld [tilespmem:s23+$0xA000];
	v12 =	vadd.f32 v15, v12;
	v14 =	vmul.f32 v14, v14;
	v15 =	vmul.f32 v4, v1;
	v1 =	vmovc v3  }
0x23a: {  	v17 =	vld [tilespmem:s23+$0x7000];
	v13 =	vmul.f32 v5, v13;
	v3 =	vmul.f32 $1.442695020e+00, v6;
	v5 =	vpop (erf)  }
0x23b: {  	v6 =	vsub.f32 v7, v9;
	v18 =	vld [tilespmem:s23+$0x3000];
	v14 =	vadd.f32 v14, v12;
	v7 =	vmul.f32 v15, v4;
	[tilespmem:s19+$0xB000] =	vst v5;
	s19 =	smov.u32 s12;
	s12 =	smov.u32 s14;
	s14 =	smov.u32 s18  }
0x23c: {  	s18 =	smov.u32 s22;
	s22 =	smov.u32 s23;
	v8 =	vsub.f32 v8, v11;
	v9 =	vmul.f32 v13, v1;
	(erf) = vpow2.f32 v3  }
0x23d: {  	v15 =	vld [tilespmem:s22+$0x4000];
	v5 =	vshrl.u32 v14, $0x1;
	v3 =	vmul.f32 $5.000000000e-01, v14;
	v11 =	vsub.f32 $1.500000000e+00, v7  }
0x23e: {  	s23 =	sshra.s32 s24, $0x2;
	v6 =	vadd.f32 v10, v6;
	v5 =	vsub.s32 $0x5F3759DF, v5;
	v10 =	vmul.f32 v9, v13  }
.Ltmp3:
0x23f: {  	v7 =	vld [tilespmem:s23+$0x8000];
	v16 =	vsub.f32 v16, v17;
	v17 =	vmul.f32 v5, v3;
	v4 =	vmul.f32 v11, v4;
	(pc) =	sbr.rel @p0 .LBB2_8-.Ltmp3, $4  }
0x240: {  	v12 =	vmul.f32 v6, v6;
	v9 =	vld [tilespmem:s23+$0x5000];
	v18 =	vadd.f32 v18, v8;
	v6 =	vsub.f32 $1.500000000e+00, v10  }
0x241: {  	v8 =	vld [tilespmem:s23+$0x9000];
	v17 =	vmul.f32 v5, v17;
	v19 =	vmul.f32 v4, v0;
	v0 =	vmovc v2;
	v2 =	vmov v14  }
0x242: {  	v11 =	vld [tilespmem:s23+$0x6000];
	v14 =	vadd.f32 v15, v16;
	v15 =	vmul.f32 v18, v18;
	v4 =	vmul.f32 v6, v13  }
0x243: {  	s24 =	sadd.s32 $0x40, s24;
	v10 =	vld [tilespmem:s23+$0x2000];
	v13 =	vsub.f32 $1.500000000e+00, v17;
	v6 =	vmul.f32 $-2.000000000e+00, v19  }
0x244: {  	v16 =	vld [tilespmem:s23+$0xA000]  }
0x245: {  	v17 =	vld [tilespmem:s23+$0x7000]  }
0x246: {  	v19 =	vld [tilespmem:s23+$0x3000];
	v18 =	vpop (erf)  }
0x247: {  	[tilespmem:s19+$0xB000] =	vst v18  }
0x248: {  	v7 =	vsub.f32 v7, v9;
	v9 =	vld [tilespmem:s23+$0x4000]  }
0x249: {  	v8 =	vsub.f32 v8, v11  }
0x24a: {  	v7 =	vadd.f32 v10, v7  }
0x24b: {  	v10 =	vsub.f32 v16, v17;
	v8 =	vadd.f32 v19, v8;
	_ =	sdelay $0x1  }
0x24c: {  	v7 =	vmul.f32 v7, v7;
	v8 =	vmul.f32 v8, v8;
	v9 =	vadd.f32 v9, v10  }
0x24d: {  	v11 =	vmul.f32 v14, v14;
	v10 =	vadd.f32 v15, v12  }
0x24e: {  	v7 =	vadd.f32 v8, v7;
	v8 =	vmul.f32 v9, v9  }
0x24f: {  	v9 =	vadd.f32 v11, v10  }
0x250: {  	v7 =	vadd.f32 v8, v7  }
0x251: {  	v8 =	vshrl.u32 v9, $0x1;
	v10 =	vmul.f32 $5.000000000e-01, v9  }
0x252: {  	v8 =	vsub.s32 $0x5F3759DF, v8;
	v11 =	vshrl.u32 v7, $0x1;
	v12 =	vmul.f32 $5.000000000e-01, v7  }
0x253: {  	v14 =	vmul.f32 v8, v10;
	v11 =	vsub.s32 $0x5F3759DF, v11  }
0x254: {  	v15 =	vmul.f32 v11, v12  }
0x255: {  	v14 =	vmul.f32 v8, v14  }
0x256: {  	v15 =	vmul.f32 v11, v15  }
0x257: {  	v14 =	vsub.f32 $1.500000000e+00, v14  }
0x258: {  	v5 =	vmul.f32 v5, v13;
	v13 =	vsub.f32 $1.500000000e+00, v15  }
0x259: {  	v8 =	vmul.f32 v8, v14  }
0x25a: {  	v14 =	vmul.f32 v5, v3;
	v11 =	vmul.f32 v11, v13  }
0x25b: {  	v13 =	vmul.f32 v8, v10  }
0x25c: {  	v14 =	vmul.f32 v14, v5;
	v15 =	vmul.f32 v11, v12  }
0x25d: {  	v13 =	vmul.f32 v13, v8  }
0x25e: {  	v14 =	vsub.f32 $1.500000000e+00, v14;
	v15 =	vmul.f32 v15, v11  }
0x25f: {  	v13 =	vsub.f32 $1.500000000e+00, v13  }
0x260: {  	v5 =	vmul.f32 v14, v5;
	v14 =	vsub.f32 $1.500000000e+00, v15  }
0x261: {  	v1 =	vmul.f32 v4, v1;
	v8 =	vmul.f32 v13, v8  }
0x262: {  	v3 =	vmul.f32 v5, v3;
	v11 =	vmul.f32 v14, v11  }
0x263: {  	v1 =	vmul.f32 v1, v4;
	v10 =	vmul.f32 v8, v10  }
0x264: {  	v3 =	vmul.f32 v3, v5;
	v12 =	vmul.f32 v11, v12  }
0x265: {  	v1 =	vsub.f32 $1.500000000e+00, v1;
	v10 =	vmul.f32 v10, v8  }
0x266: {  	v6 =	vmul.f32 $1.442695020e+00, v6;
	v3 =	vsub.f32 $1.500000000e+00, v3;
	v12 =	vmul.f32 v12, v11  }
0x267: {  	v1 =	vmul.f32 v1, v4;
	v4 =	vsub.f32 $1.500000000e+00, v10  }
0x268: {  	(erf) = vpow2.f32 v6;
	v3 =	vmul.f32 v3, v5;
	v5 =	vsub.f32 $1.500000000e+00, v12  }
0x269: {  	v0 =	vmul.f32 v1, v0;
	v1 =	vmul.f32 v4, v8  }
0x26a: {  	v2 =	vmul.f32 v3, v2;
	v3 =	vmul.f32 v5, v11  }
0x26b: {  	v0 =	vmul.f32 $-2.000000000e+00, v0;
	v1 =	vmul.f32 v1, v9  }
0x26c: {  	v2 =	vmul.f32 $-2.000000000e+00, v2;
	v3 =	vmul.f32 v3, v7  }
0x26d: {  	v0 =	vmul.f32 $1.442695020e+00, v0;
	v1 =	vmul.f32 $-2.000000000e+00, v1  }
0x26e: {  	v2 =	vmul.f32 $1.442695020e+00, v2;
	v3 =	vmul.f32 $-2.000000000e+00, v3  }
0x26f: {  	(erf) = vpow2.f32 v0;
	v0 =	vmul.f32 $1.442695020e+00, v1  }
0x270: {  	(erf) = vpow2.f32 v2;
	v1 =	vmul.f32 $1.442695020e+00, v3  }
0x271: {  	(erf) = vpow2.f32 v0  }
0x272: {  	(erf) = vpow2.f32 v1;
	_ =	sdelay $0x4  }
0x273: {  	v0 =	vpop (erf)  }
0x274: {  	[tilespmem:s12+$0xB000] =	vst v0;
	v1 =	vpop (erf)  }
0x275: {  	[tilespmem:s14+$0xB000] =	vst v1;
	v0 =	vpop (erf)  }
0x276: {  	[tilespmem:s18+$0xB000] =	vst v0;
	v1 =	vpop (erf)  }
0x277: {  	[tilespmem:s22+$0xB000] =	vst v1;
	v0 =	vpop (erf)  }
0x278: {  	s26 =	simm.s32 $0xB000;
	[tilespmem:s23+$0xB000] =	vst v0  }
0x279: {  	[spmem:s4] =	stream.indirect.scatter.add.f32 [tilespmem:s26], [sflag:$0x5], $0x1, s16, s21, $0xb8;
	[tilespmem:$0x1E400] =	vst v63  }
0x27a: {  	_ =	swait.ge [sflag:s15], $0xFA0  }
0x27b: {  	[sflag:s15] =	ssyncset.done $0x0  }
0x27c: {  	[sflag:s15] =	ssyncadd.s32 $0xFFFFF060  }
0x27d: {  	_ =	swait.ge [sflag:s28], $0xFA0  }
0x27e: {  	[sflag:s28] =	ssyncset.done $0x0  }
0x27f: {  	[sflag:s28] =	ssyncadd.s32 $0xFFFFF060  }
0x280: {  	_ =	swait.ge [sflag:s28], $0xFA0  }
0x281: {  	[sflag:s28] =	ssyncset.done $0x0  }
0x282: {  	[sflag:s28] =	ssyncadd.s32 $0xFFFFF060  }
0x283: {  	_ =	swait.ge [sflag:s28], $0xFA0  }
0x284: {  	[sflag:s28] =	ssyncset.done $0x0  }
0x285: {  	[sflag:s28] =	ssyncadd.s32 $0xFFFFF060  }
0x286: {  	_ =	swait.ge [sflag:s28], $0xFA0  }
0x287: {  	[sflag:s28] =	ssyncset.done $0x0  }
0x288: {  	[sflag:s28] =	ssyncadd.s32 $0xFFFFF060  }
0x289: {  	_ =	swait.ge [sflag:s28], $0xFA0  }
0x28a: {  	[sflag:s28] =	ssyncset.done $0x0  }
0x28b: {  	[sflag:s28] =	ssyncadd.s32 $0xFFFFF060  }
0x28c: {  	_ =	swait.ge [sflag:s28], $0xFA0  }
0x28d: {  	[sflag:s28] =	ssyncset.done $0x0  }
0x28e: {  	s19 =	simm.s32 $0x0;
	[sflag:s28] =	ssyncadd.s32 $0xFFFFF060  }
0x28f: {  	v0 =	vld [tilespmem:s19+$0x14000]  }
0x290: {  	v1 =	vld [tilespmem:s19+$0x11000]  }
0x291: {  	v2 =	vld [tilespmem:s19+$0x15000]  }
0x292: {  	v3 =	vld [tilespmem:s19+$0x12000]  }
0x293: {  	v4 =	vld [tilespmem:s19+$0xE000]  }
0x294: {  	v5 =	vld [tilespmem:s19+$0x16000]  }
0x295: {  	v6 =	vld [tilespmem:s19+$0x13000]  }
0x296: {  	v7 =	vld [tilespmem:s19+$0xF000];
	_ =	sdelay $0x1  }
0x297: {  	v0 =	vsub.f32 v0, v1;
	v1 =	vld [tilespmem:s19+$0x10000]  }
0x298: {  	s12 =	simm.s32 $0x10;
	v2 =	vsub.f32 v2, v3  }
0x299: {  	v8 =	vld [tilespmem:s12+$0x16000];
	v5 =	vsub.f32 v5, v6  }
0x29a: {  	v3 =	vld [tilespmem:s12+$0x14000];
	v0 =	vadd.f32 v4, v0;
	v2 =	vadd.f32 v7, v2  }
0x29b: {  	v6 =	vld [tilespmem:s12+$0x15000]  }
0x29c: {  	v4 =	vld [tilespmem:s12+$0x11000];
	v0 =	vmul.f32 v0, v0;
	v2 =	vmul.f32 v2, v2;
	v1 =	vadd.f32 v1, v5  }
0x29d: {  	v7 =	vld [tilespmem:s12+$0x12000]  }
0x29e: {  	v9 =	vld [tilespmem:s12+$0xF000];
	v0 =	vadd.f32 v2, v0;
	v1 =	vmul.f32 v1, v1  }
0x29f: {  	v5 =	vld [tilespmem:s12+$0xE000]  }
0x2a0: {  	v2 =	vld [tilespmem:s12+$0x13000];
	v10 =	vadd.f32 v1, v0  }
0x2a1: {  	v0 =	vsub.f32 v3, v4  }
0x2a2: {  	s14 =	simm.s32 $0x20;
	v1 =	vld [tilespmem:s12+$0x10000];
	v3 =	vsub.f32 v6, v7;
	v4 =	vshrl.u32 v10, $0x1;
	v6 =	vmul.f32 $5.000000000e-01, v10  }
0x2a3: {  	v11 =	vld [tilespmem:s14+$0x12000];
	v4 =	vsub.s32 $0x5F3759DF, v4  }
0x2a4: {  	v12 =	vld [tilespmem:s14+$0x16000];
	v0 =	vadd.f32 v5, v0;
	v7 =	vmul.f32 v4, v6  }
0x2a5: {  	v5 =	vld [tilespmem:s14+$0x14000];
	v2 =	vsub.f32 v8, v2;
	v3 =	vadd.f32 v9, v3  }
0x2a6: {  	v8 =	vld [tilespmem:s14+$0x11000];
	v7 =	vmul.f32 v4, v7  }
0x2a7: {  	v9 =	vld [tilespmem:s14+$0x15000];
	v0 =	vmul.f32 v0, v0;
	v1 =	vadd.f32 v1, v2;
	v2 =	vmul.f32 v3, v3  }
0x2a8: {  	v3 =	vld [tilespmem:s14+$0xE000];
	v7 =	vsub.f32 $1.500000000e+00, v7  }
0x2a9: {  	v0 =	vadd.f32 v2, v0;
	v1 =	vmul.f32 v1, v1;
	v2 =	vld [tilespmem:s14+$0x13000]  }
0x2aa: {  	v4 =	vmul.f32 v4, v7;
	v7 =	vld [tilespmem:s14+$0xF000]  }
0x2ab: {  	v13 =	vadd.f32 v1, v0  }
0x2ac: {  	v0 =	vsub.f32 v5, v8;
	v5 =	vld [tilespmem:s14+$0x10000];
	v1 =	vmul.f32 v4, v6  }
0x2ad: {  	s18 =	simm.s32 $0x30;
	v9 =	vsub.f32 v9, v11;
	v8 =	vshrl.u32 v13, $0x1;
	v14 =	vmul.f32 $5.000000000e-01, v13  }
0x2ae: {  	v15 =	vld [tilespmem:s18+$0x12000];
	v0 =	vadd.f32 v3, v0;
	v8 =	vsub.s32 $0x5F3759DF, v8;
	v1 =	vmul.f32 v1, v4  }
0x2af: {  	v3 =	vld [tilespmem:s18+$0x14000];
	v2 =	vsub.f32 v12, v2;
	v11 =	vmul.f32 v8, v14;
	v7 =	vadd.f32 v7, v9  }
0x2b0: {  	v12 =	vld [tilespmem:s18+$0x11000];
	v0 =	vmul.f32 v0, v0;
	v1 =	vsub.f32 $1.500000000e+00, v1  }
0x2b1: {  	v2 =	vadd.f32 v5, v2;
	v9 =	vld [tilespmem:s18+$0x15000];
	v11 =	vmul.f32 v8, v11;
	v5 =	vmul.f32 v7, v7  }
0x2b2: {  	v4 =	vmul.f32 v1, v4  }
0x2b3: {  	v2 =	vmul.f32 v2, v2;
	v1 =	vsub.f32 $1.500000000e+00, v11;
	v11 =	vld [tilespmem:s18+$0x16000];
	v0 =	vadd.f32 v5, v0  }
0x2b4: {  	v5 =	vmul.f32 v4, v6;
	v6 =	vld [tilespmem:s18+$0x13000]  }
0x2b5: {  	v8 =	vmul.f32 v8, v1;
	v0 =	vadd.f32 v2, v0  }
0x2b6: {  	v16 =	vld [tilespmem:s18+$0xF000];
	v9 =	vsub.f32 v9, v15;
	v2 =	vsub.f32 v3, v12;
	v3 =	vmul.f32 v5, v4  }
0x2b7: {  	v7 =	vld [tilespmem:s18+$0xE000];
	v5 =	vmul.f32 v8, v14;
	v15 =	vshrl.u32 v0, $0x1;
	v1 =	vmul.f32 $5.000000000e-01, v0  }
0x2b8: {  	v3 =	vsub.f32 $1.500000000e+00, v3;
	v15 =	vsub.s32 $0x5F3759DF, v15  }
0x2b9: {  	v12 =	vld [tilespmem:s18+$0x10000];
	v5 =	vmul.f32 v5, v8;
	v6 =	vsub.f32 v11, v6;
	v11 =	vmul.f32 v15, v1  }
0x2ba: {  	s22 =	simm.s32 $0x40  }
0x2bb: {  	v17 =	vld [tilespmem:s22+$0x12000];
	v3 =	vmul.f32 v3, v4;
	v5 =	vsub.f32 $1.500000000e+00, v5;
	v11 =	vmul.f32 v15, v11  }
0x2bc: {  	v9 =	vadd.f32 v16, v9;
	v16 =	vld [tilespmem:s22+$0x15000];
	v2 =	vadd.f32 v7, v2  }
0x2bd: {  	v7 =	vld [tilespmem:s22+$0x14000];
	v8 =	vmul.f32 v5, v8;
	v3 =	vmul.f32 v3, v10;
	v5 =	vsub.f32 $1.500000000e+00, v11  }
0x2be: {  	v9 =	vmul.f32 v9, v9;
	v2 =	vmul.f32 v2, v2;
	v4 =	vld [tilespmem:s22+$0x11000];
	v6 =	vadd.f32 v12, v6  }
0x2bf: {  	v12 =	vld [tilespmem:s22+$0x13000];
	v62 =	vmul.f32 v15, v5;
	v5 =	vmul.f32 $-2.000000000e+00, v3  }
0x2c0: {  	v2 =	vadd.f32 v9, v2;
	v10 =	vld [tilespmem:s22+$0xE000];
	v6 =	vmul.f32 v6, v6;
	v9 =	vmul.f32 v8, v14  }
0x2c1: {  	v11 =	vld [tilespmem:s22+$0x16000];
	v15 =	vsub.f32 v16, v17;
	v17 =	vmul.f32 $1.442695020e+00, v5  }
0x2c2: {  	v14 =	vld [tilespmem:s22+$0xF000];
	v2 =	vadd.f32 v6, v2;
	v6 =	vmul.f32 v9, v8  }
0x2c3: {  	v4 =	vsub.f32 v7, v4;
	v7 =	vmul.f32 v62, v1;
	(erf) = vpow2.f32 v17  }
0x2c4: {  	v16 =	vld [tilespmem:s22+$0x10000];
	v9 =	vshrl.u32 v2, $0x1;
	v3 =	vmul.f32 $5.000000000e-01, v2;
	v6 =	vsub.f32 $1.500000000e+00, v6  }
0x2c5: {  	s23 =	simm.s32 $0x50;
	v4 =	vadd.f32 v10, v4;
	v5 =	vsub.s32 $0x5F3759DF, v9;
	v63 =	vmul.f32 v7, v62  }
0x2c6: {  	v9 =	vld [tilespmem:s23+$0x11000];
	v10 =	vmul.f32 v5, v3;
	v17 =	vsub.f32 v11, v12;
	v6 =	vmul.f32 v6, v8  }
0x2c7: {  	v7 =	vld [tilespmem:s23+$0x14000];
	v15 =	vadd.f32 v14, v15;
	v12 =	vmul.f32 v4, v4;
	v19 =	vsub.f32 $1.500000000e+00, v63  }
0x2c8: {  	v11 =	vld [tilespmem:s23+$0x12000];
	v20 =	vmul.f32 v5, v10;
	v6 =	vmul.f32 v6, v13  }
0x2c9: {  	v8 =	vld [tilespmem:s23+$0x15000];
	v14 =	vadd.f32 v16, v17;
	v15 =	vmul.f32 v15, v15;
	v4 =	vmul.f32 v19, v62  }
0x2ca: {  	s24 =	simm.s32 $0x180;
	v10 =	vld [tilespmem:s23+$0xE000];
	v13 =	vsub.f32 $1.500000000e+00, v20;
	v6 =	vmul.f32 $-2.000000000e+00, v6  }
.LBB2_10:
0x2cb: {  	p0 =	sne.s32 s24, $0x3E40;
	v16 =	vld [tilespmem:s23+$0x16000];
	v12 =	vadd.f32 v15, v12;
	v14 =	vmul.f32 v14, v14;
	v15 =	vmul.f32 v4, v1;
	v1 =	vmovc v3  }
0x2cc: {  	v17 =	vld [tilespmem:s23+$0x13000];
	v13 =	vmul.f32 v5, v13;
	v3 =	vmul.f32 $1.442695020e+00, v6;
	v5 =	vpop (erf)  }
0x2cd: {  	v6 =	vsub.f32 v7, v9;
	v18 =	vld [tilespmem:s23+$0xF000];
	v14 =	vadd.f32 v14, v12;
	v7 =	vmul.f32 v15, v4;
	[tilespmem:s19+$0x17000] =	vst v5;
	s19 =	smov.u32 s12;
	s12 =	smov.u32 s14;
	s14 =	smov.u32 s18  }
0x2ce: {  	s18 =	smov.u32 s22;
	s22 =	smov.u32 s23;
	v8 =	vsub.f32 v8, v11;
	v9 =	vmul.f32 v13, v1;
	(erf) = vpow2.f32 v3  }
0x2cf: {  	v15 =	vld [tilespmem:s22+$0x10000];
	v5 =	vshrl.u32 v14, $0x1;
	v3 =	vmul.f32 $5.000000000e-01, v14;
	v11 =	vsub.f32 $1.500000000e+00, v7  }
0x2d0: {  	s23 =	sshra.s32 s24, $0x2;
	v6 =	vadd.f32 v10, v6;
	v5 =	vsub.s32 $0x5F3759DF, v5;
	v10 =	vmul.f32 v9, v13  }
.Ltmp4:
0x2d1: {  	v7 =	vld [tilespmem:s23+$0x14000];
	v16 =	vsub.f32 v16, v17;
	v17 =	vmul.f32 v5, v3;
	v4 =	vmul.f32 v11, v4;
	(pc) =	sbr.rel @p0 .LBB2_10-.Ltmp4, $4  }
0x2d2: {  	v12 =	vmul.f32 v6, v6;
	v9 =	vld [tilespmem:s23+$0x11000];
	v18 =	vadd.f32 v18, v8;
	v6 =	vsub.f32 $1.500000000e+00, v10  }
0x2d3: {  	v8 =	vld [tilespmem:s23+$0x15000];
	v17 =	vmul.f32 v5, v17;
	v19 =	vmul.f32 v4, v0;
	v0 =	vmovc v2;
	v2 =	vmov v14  }
0x2d4: {  	v11 =	vld [tilespmem:s23+$0x12000];
	v14 =	vadd.f32 v15, v16;
	v15 =	vmul.f32 v18, v18;
	v4 =	vmul.f32 v6, v13  }
0x2d5: {  	s24 =	sadd.s32 $0x40, s24;
	v10 =	vld [tilespmem:s23+$0xE000];
	v13 =	vsub.f32 $1.500000000e+00, v17;
	v6 =	vmul.f32 $-2.000000000e+00, v19  }
0x2d6: {  	v16 =	vld [tilespmem:s23+$0x16000]  }
0x2d7: {  	v17 =	vld [tilespmem:s23+$0x13000]  }
0x2d8: {  	v19 =	vld [tilespmem:s23+$0xF000];
	v18 =	vpop (erf)  }
0x2d9: {  	[tilespmem:s19+$0x17000] =	vst v18  }
0x2da: {  	v7 =	vsub.f32 v7, v9;
	v36 =	vld [tilespmem:s23+$0x10000]  }
0x2db: {  	v8 =	vsub.f32 v8, v11  }
0x2dc: {  	v7 =	vadd.f32 v10, v7  }
0x2dd: {  	v37 =	vsub.f32 v16, v17;
	v8 =	vadd.f32 v19, v8;
	_ =	sdelay $0x1  }
0x2de: {  	v7 =	vmul.f32 v7, v7;
	v8 =	vmul.f32 v8, v8;
	v9 =	vadd.f32 v36, v37  }
0x2df: {  	v38 =	vadd.f32 v15, v12;
	v39 =	vmul.f32 v14, v14  }
0x2e0: {  	v7 =	vadd.f32 v8, v7;
	v40 =	vmul.f32 v9, v9  }
0x2e1: {  	v41 =	vadd.f32 v39, v38  }
0x2e2: {  	v7 =	vadd.f32 v40, v7  }
0x2e3: {  	v42 =	vshrl.u32 v41, $0x1;
	v10 =	vmul.f32 $5.000000000e-01, v41  }
0x2e4: {  	v8 =	vsub.s32 $0x5F3759DF, v42;
	v43 =	vshrl.u32 v7, $0x1;
	v44 =	vmul.f32 $5.000000000e-01, v7  }
0x2e5: {  	v45 =	vmul.f32 v8, v10;
	v11 =	vsub.s32 $0x5F3759DF, v43  }
0x2e6: {  	v46 =	vmul.f32 v11, v44  }
0x2e7: {  	v14 =	vmul.f32 v8, v45  }
0x2e8: {  	v15 =	vmul.f32 v11, v46  }
0x2e9: {  	v14 =	vsub.f32 $1.500000000e+00, v14  }
0x2ea: {  	v5 =	vmul.f32 v5, v13;
	v47 =	vsub.f32 $1.500000000e+00, v15  }
0x2eb: {  	v8 =	vmul.f32 v8, v14  }
0x2ec: {  	v48 =	vmul.f32 v5, v3;
	v11 =	vmul.f32 v11, v47  }
0x2ed: {  	v49 =	vmul.f32 v8, v10  }
0x2ee: {  	v14 =	vmul.f32 v48, v5;
	v50 =	vmul.f32 v11, v44  }
0x2ef: {  	v13 =	vmul.f32 v49, v8  }
0x2f0: {  	v14 =	vsub.f32 $1.500000000e+00, v14;
	v15 =	vmul.f32 v50, v11  }
0x2f1: {  	v13 =	vsub.f32 $1.500000000e+00, v13  }
0x2f2: {  	v5 =	vmul.f32 v14, v5;
	v51 =	vsub.f32 $1.500000000e+00, v15  }
0x2f3: {  	v1 =	vmul.f32 v4, v1;
	v8 =	vmul.f32 v13, v8  }
0x2f4: {  	v52 =	vmul.f32 v5, v3;
	v11 =	vmul.f32 v51, v11  }
0x2f5: {  	v1 =	vmul.f32 v1, v4;
	v10 =	vmul.f32 v8, v10  }
0x2f6: {  	v3 =	vmul.f32 v52, v5;
	v12 =	vmul.f32 v11, v44  }
0x2f7: {  	v1 =	vsub.f32 $1.500000000e+00, v1;
	v10 =	vmul.f32 v10, v8  }
0x2f8: {  	v6 =	vmul.f32 $1.442695020e+00, v6;
	v3 =	vsub.f32 $1.500000000e+00, v3;
	v12 =	vmul.f32 v12, v11  }
0x2f9: {  	v1 =	vmul.f32 v1, v4;
	v53 =	vsub.f32 $1.500000000e+00, v10  }
0x2fa: {  	(erf) = vpow2.f32 v6;
	v3 =	vmul.f32 v3, v5;
	v54 =	vsub.f32 $1.500000000e+00, v12  }
0x2fb: {  	v0 =	vmul.f32 v1, v0;
	v55 =	vmul.f32 v53, v8  }
0x2fc: {  	v2 =	vmul.f32 v3, v2;
	v56 =	vmul.f32 v54, v11  }
0x2fd: {  	v0 =	vmul.f32 $-2.000000000e+00, v0;
	v1 =	vmul.f32 v55, v41  }
0x2fe: {  	v2 =	vmul.f32 $-2.000000000e+00, v2;
	v3 =	vmul.f32 v56, v7  }
0x2ff: {  	v0 =	vmul.f32 $1.442695020e+00, v0;
	v1 =	vmul.f32 $-2.000000000e+00, v1  }
0x300: {  	v2 =	vmul.f32 $1.442695020e+00, v2;
	v3 =	vmul.f32 $-2.000000000e+00, v3  }
0x301: {  	(erf) = vpow2.f32 v0;
	v57 =	vmul.f32 $1.442695020e+00, v1  }
0x302: {  	(erf) = vpow2.f32 v2;
	v58 =	vmul.f32 $1.442695020e+00, v3  }
0x303: {  	(erf) = vpow2.f32 v57  }
0x304: {  	(erf) = vpow2.f32 v58;
	_ =	sdelay $0x4  }
0x305: {  	v59 =	vpop (erf)  }
0x306: {  	[tilespmem:s12+$0x17000] =	vst v59;
	v60 =	vpop (erf)  }
0x307: {  	[tilespmem:s14+$0x17000] =	vst v60;
	v61 =	vpop (erf)  }
0x308: {  	[tilespmem:s18+$0x17000] =	vst v61;
	v62 =	vpop (erf)  }
0x309: {  	[tilespmem:s22+$0x17000] =	vst v62;
	v63 =	vpop (erf)  }
0x30a: {  	[tilespmem:s23+$0x17000] =	vst v63  }
0x30b: {  	[spmem:s4] =	stream.indirect.scatter.add.f32 [tilespmem:s5], [sflag:$0x5], $0x1, s0, s21, $0xb8;
	[tilespmem:$0x1E400] =	vst v63  }
0x30c: {  	_ =	swait.ge [sflag:s15], $0xFA0  }
0x30d: {  	[sflag:s15] =	ssyncset.done $0x0  }
0x30e: {  	[sflag:s15] =	ssyncadd.s32 $0xFFFFF060  }
0x30f: {  	[bflag:$0x0] =	sbarrier.arrive $0xFFFF  }
0x310: {  	s18 =	rddreg [dreg:$0x7]  }
0x311: {  	s23 =	rddreg [dreg:$0x16]  }
0x312: {  	s24 =	rddreg [dreg:$0x1c]  }
0x313: {  	[hbm:s23], [sflag:s18] =	dma.local [spmem:s24], $0x320  }
0x314: {  	_ =	swait.ge [sflag:s15], $0x320  }
0x315: {  	s25 =	rddreg [dreg:$0x1b]  }
0x316: {  	s26 =	rddreg [dreg:$0x17];
	s14 =	sadd.s32 $0x1, s25  }
0x317: {  	p0 =	sne.s32 s14, s26  }
.Ltmp5:
0x318: {  	_ = 	snop;
	(pc) =	sbr.rel @p0 .LBB2_1-.Ltmp5, $3  }
0x319: {  	_ =	sdelay $0x1  }
0x31a: {  	[sflag:s15] =	ssyncset.done $0x0  }
0x31b: {  	[sflag:s15] =	ssyncadd.s32 $0xFFFFFCE0  }
0x31c: {  	_ =	sfence.sel $0x180000  }
0x31d: {  	[bflag:$0x0] =	sbarrier.arrive $0xFFFF  }
0x31e: {  	_ =	strace $0x90000047  }
0x31f: {  	s0 =	stileid.u32;
	[bflag:$0x2] =	sbarrier.arrive $0xFFFF  }
0x320: {  	p0 =	sne.s32 s0, $0x0;
	s0 =	rddreg [dreg:$0x5]  }
0x321: {  	s0 =	sadd.s32 @!p0 $0x100000, s0  }
0x322: {  	[sflag:s0] =	ssyncadd.tile.s32 @!p0 $0x1;
	_ =	shalt  }
.Lfunc_end2:
_tile_overlayer_lowered:
.L_overlay_start_2:
0x323: {  	(tag) =	ssettag $0x2  }
0x324: {  	s0 =	rddreg [dreg:$0x0];
	s2 =	stileid.u32  }
0x325: {  	s1 =	rddreg [dreg:$0x1];
	p0 =	sne.s32 s2, $0x0  }
0x326: {  	s3 =	rddreg [dreg:$0x2];
	[bflag:$0x3] =	sbarrier.arrive $0xFFFF;
	s2 =	simm.s32 @!p0 $0x1C05  }
0x327: {  	[timem:s3], [sflag:s2] =	dma.local @!p0 [hbm:s0], s1  }
0x328: {  	s0 =	simm.s32 @!p0 $0x5  }
0x329: {  	_ =	swait.ge @!p0 [sflag:s0], s1  }
0x32a: {  	s1 =	ssub.s32 @!p0 $0x0, s1;
	[sflag:s0] =	ssyncset.done @!p0 $0x0  }
0x32b: {  	[sflag:s0] =	ssyncadd.s32 @!p0 s1  }
0x32c: {  	[bflag:$0x3] =	sbarrier.arrive $0xFFFF  }
0x32d: {  	_ =	shalt  }

</sc_bundles>
